<compile_context>
chip_gen: v7x
topology: tpu7x:2x2x1
jax: 0.10.2.dev20260603
libtpu: 0.0.44.dev20260713+nightly
codegen_flags: <defaults>
</compile_context>

<pallas_src>
import functools

import jax
import jax.numpy as jnp
from jax import lax
from jax.experimental import pallas as pl
from jax.experimental.pallas import tpu as pltpu
from jax.experimental.pallas import tpu_sc as plsc

_NUM_E = 8192
_DIM = 64
_TOKENS = 8192
_ROWS = 1024
_COLS = 8192


def _argmin_body(flat_ref, cb_ref, idx_ref, cbpad_ref, cbm2_ref, c2_ref):
    @pl.when(pl.program_id(0) == 0)
    def _init():
        cb = cb_ref[...]
        cbm2_ref[...] = cb * (-2.0)
        c2_ref[...] = jnp.sum(cb * cb, axis=1, keepdims=True)
        cbpad_ref[:, : _DIM] = cb
        cbpad_ref[:, _DIM:] = jnp.zeros((_NUM_E, _GATHER_W - _DIM), jnp.float32)

    flat = flat_ref[...]
    z2 = jnp.sum(flat * flat, axis=1, keepdims=True)
    best_val = None
    best_col = None
    lane_f = lax.broadcasted_iota(jnp.int32, (1, 128), 1).astype(jnp.float32)
    for j in range(_NUM_E // _COLS):
        cbm2 = cbm2_ref[pl.ds(j * _COLS, _COLS), :]
        s2 = lax.dot_general(flat, cbm2, (((1,), (1,)), ((), ())),
                             preferred_element_type=jnp.float32)
        c2 = c2_ref[pl.ds(j * _COLS, _COLS), 0]
        bv = None
        bc = None
        for g in range(_COLS // 128):
            lo, hi = g * 128, (g + 1) * 128
            dg = (z2 + s2[:, lo:hi]) + c2[lo:hi][None, :]
            colg = lane_f + float(j * _COLS + g * 128)
            if bv is None:
                bv = dg
                bc = jnp.broadcast_to(colg, dg.shape)
            else:
                mask = dg < bv
                bv = jnp.where(mask, dg, bv)
                bc = jnp.where(mask, colg, bc)
        m = jnp.min(bv, axis=1)
        a = jnp.min(jnp.where(bv == m[:, None], bc, float(_NUM_E)), axis=1)
        if best_val is None:
            best_val, best_col = m, a
        else:
            upd = m < best_val
            best_val = jnp.where(upd, m, best_val)
            best_col = jnp.where(upd, a, best_col)
    idx_ref[0, 0, :] = best_col.astype(jnp.int32)


def _argmin_call(flat, codebook):
    grid = _TOKENS // _ROWS
    idx, cbpad = pl.pallas_call(
        _argmin_body,
        grid=(grid,),
        in_specs=[
            pl.BlockSpec((_ROWS, _DIM), lambda i: (i, 0)),
            pl.BlockSpec((_NUM_E, _DIM), lambda i: (0, 0)),
        ],
        out_specs=[
            pl.BlockSpec((1, 1, _ROWS), lambda i: (i, 0, 0)),
            pl.BlockSpec((_NUM_E, _GATHER_W), lambda i: (0, 0)),
        ],
        out_shape=[
            jax.ShapeDtypeStruct((grid, 1, _ROWS), jnp.int32),
            jax.ShapeDtypeStruct((_NUM_E, _GATHER_W), jnp.float32),
        ],
        scratch_shapes=[
            pltpu.VMEM((_NUM_E, _DIM), jnp.float32),
            pltpu.VMEM((_NUM_E, 1), jnp.float32),
        ],
    )(flat, codebook)
    return idx.reshape(-1), cbpad


_GATHER_W = 128


def _make_gather():
    info = plsc.get_sparse_core_info()
    nc, ns = info.num_cores, info.num_subcores
    nw = nc * ns
    b_per_w = _TOKENS // nw
    mesh = plsc.VectorSubcoreMesh(core_axis_name="c", subcore_axis_name="s")

    @functools.partial(
        pl.kernel, mesh=mesh,
        out_type=(
            jax.ShapeDtypeStruct((_TOKENS, _DIM), jnp.float32),
            jax.ShapeDtypeStruct((nw * 16,), jnp.float32),
        ),
        scratch_types=[
            pltpu.VMEM((b_per_w,), jnp.int32),
            pltpu.VMEM((b_per_w, _GATHER_W), jnp.float32),
            pltpu.VMEM((b_per_w, _DIM), jnp.float32),
            pltpu.VMEM((b_per_w, _DIM), jnp.float32),
            pltpu.VMEM((16,), jnp.float32),
            pltpu.SemaphoreType.DMA,
        ],
    )
    def _gather(table_hbm, idx_hbm, flat_hbm, st_hbm, part_hbm,
                idx_v, rows_v, z_v, st_v, acc_v, sem):
        wid = lax.axis_index("s") * nc + lax.axis_index("c")
        base = wid * b_per_w
        pltpu.sync_copy(idx_hbm.at[pl.ds(base, b_per_w)], idx_v)
        copy_q = pltpu.async_copy(table_hbm.at[idx_v], rows_v, sem)
        pltpu.sync_copy(flat_hbm.at[pl.ds(base, b_per_w)], z_v)
        copy_q.wait()

        def body(i, acc):
            for k in range(_DIM // 16):
                sl = pl.ds(k * 16, 16)
                q = rows_v[i, sl]
                zz = z_v[i, sl]
                diff = q - zz
                st_v[i, sl] = zz + diff
                acc = acc + diff * diff
            return acc

        acc = lax.fori_loop(0, b_per_w, body, jnp.zeros((16,), jnp.float32))
        acc_v[...] = acc
        pltpu.sync_copy(st_v, st_hbm.at[pl.ds(base, b_per_w)])
        pltpu.sync_copy(acc_v, part_hbm.at[pl.ds(wid * 16, 16)])

    return _gather


def kernel(z, codebook):
    B, C, H, W = z.shape
    flat = jnp.transpose(z, (0, 2, 3, 1)).reshape(-1, C)
    indices, cb_pad = _argmin_call(flat, codebook)
    st_flat, partials = _make_gather()(cb_pad, indices, flat)
    quantized_st = jnp.transpose(st_flat.reshape(B, H, W, C), (0, 3, 1, 2))
    msq = jnp.sum(partials) / jnp.float32(B * C * H * W)
    loss = msq + 0.25 * msq
    return quantized_st, loss, indices.reshape(B, H, W)

# --- scband reference (transcript-rebuilt; emitter-appended) ---
"""Pipeline reference for scband-vector-quantizer-45397804319287 (READ-ONLY COPY).

The authoritative reference and input builder live on the scoring server;
editing this copy changes nothing except your own understanding.
"""

import jax, jax.numpy as jnp
import numpy as np

NUM_EMBEDDINGS = 8192
EMBEDDING_DIM = 64
COMMITMENT = 0.25

def setup_inputs(seed: int = 0) -> dict:
    key = jax.random.key(seed)
    k1, k2 = jax.random.split(key)
    z = jax.random.normal(k1, (8, 64, 32, 32), dtype=jnp.float32)
    codebook = jax.random.uniform(k2, (NUM_EMBEDDINGS, EMBEDDING_DIM), dtype=jnp.float32,
                                  minval=-1.0 / NUM_EMBEDDINGS, maxval=1.0 / NUM_EMBEDDINGS)
    return {"z": z, "codebook": codebook}

def reference(z, codebook):
    B, C, H, W = z.shape
    flat = jnp.transpose(z, (0, 2, 3, 1)).reshape(-1, C)
    d = (jnp.sum(flat ** 2, axis=1, keepdims=True)
         - 2.0 * flat @ codebook.T
         + jnp.sum(codebook ** 2, axis=1))
    indices = jnp.argmin(d, axis=1)
    quantized = jnp.take(codebook, indices, axis=0).reshape(B, H, W, C)
    quantized = jnp.transpose(quantized, (0, 3, 1, 2))
    codebook_loss = jnp.mean((quantized - jax.lax.stop_gradient(z)) ** 2)
    commitment_loss = jnp.mean((z - jax.lax.stop_gradient(quantized)) ** 2)
    loss = codebook_loss + COMMITMENT * commitment_loss
    quantized_st = z + jax.lax.stop_gradient(quantized - z)
    return quantized_st, loss, indices.reshape(B, H, W)

if __name__ == "__main__":
    import jax
    _d = setup_inputs()
    print(jax.jit(kernel)(*tuple(_d.values())))

</pallas_src>

<mosaic_0001>
#map = affine_map<(d0, d1) -> (0, 0)>
#map1 = affine_map<(d0, d1) -> (0)>
module attributes {stable_mosaic.version = 14 : i64} {
  func.func @_gather(%arg0: i32, %arg1: i32, %arg2: memref<8192x128xf32, #tpu.memory_space<hbm>>, %arg3: memref<8192xi32, #tpu.memory_space<hbm>>, %arg4: memref<8192x64xf32, #tpu.memory_space<hbm>>, %arg5: memref<8192x64xf32, #tpu.memory_space<hbm>>, %arg6: memref<512xf32, #tpu.memory_space<hbm>>, %arg7: memref<256xi32, #tpu.memory_space<vmem>>, %arg8: memref<256x128xf32, #tpu.memory_space<vmem>>, %arg9: memref<256x64xf32, #tpu.memory_space<vmem>>, %arg10: memref<256x64xf32, #tpu.memory_space<vmem>>, %arg11: memref<16xf32, #tpu.memory_space<vmem>>, %arg12: memref<!tpu.dma_semaphore, #tpu.memory_space<semaphore_mem>>) attributes {dimension_semantics = [#tpu.dimension_semantics<core_parallel>, #tpu.dimension_semantics<subcore_parallel>], iteration_bounds = array<i64: 2, 16>, scalar_prefetch = 0 : i64, scratch_operands = 6 : i64, tpu.core_type = #tpu.core_type<sc_vector_subcore>, window_params = [{transform_indices = #map}, {transform_indices = #map1}, {transform_indices = #map}, {transform_indices = #map}, {transform_indices = #map1}]} {
    %mul3A = arith.constant 2 : i32
    %mul3A_0 = arith.muli %arg1, %mul3A : i32
    %add3A = arith.addi %mul3A_0, %arg0 : i32
    %mul3A_1 = arith.constant 256 : i32
    %mul3A_2 = arith.muli %add3A, %mul3A_1 : i32
    "tpu.region"() ({
      %run_scoped3A = tpu.sem_alloc : memref<!tpu.dma_semaphore, #tpu.memory_space<semaphore_mem>>
      %dma_start3A_18 = tpu.memref_slice %arg3[%mul3A_2] : memref<8192xi32, #tpu.memory_space<hbm>> -> memref<256xi32, #tpu.memory_space<hbm>>
      %dma_start3A_19 = tpu.memref_slice %arg3[%mul3A_2] : memref<8192xi32, #tpu.memory_space<hbm>> -> memref<256xi32, #tpu.memory_space<hbm>>
      tpu.enqueue_dma source(%dma_start3A_19 : memref<256xi32, #tpu.memory_space<hbm>>) target(%arg7 : memref<256xi32, #tpu.memory_space<vmem>>) target_semaphore(%run_scoped3A : memref<!tpu.dma_semaphore, #tpu.memory_space<semaphore_mem>>)
      %dma_wait3A_20 = tpu.memref_slice %arg3[%mul3A_2] : memref<8192xi32, #tpu.memory_space<hbm>> -> memref<256xi32, #tpu.memory_space<hbm>>
      %dma_wait3A_21 = tpu.memref_slice %arg3[%mul3A_2] : memref<8192xi32, #tpu.memory_space<hbm>> -> memref<256xi32, #tpu.memory_space<hbm>>
      tpu.wait_dma2 semaphore(%run_scoped3A : memref<!tpu.dma_semaphore, #tpu.memory_space<semaphore_mem>>) src(%dma_wait3A_21 : memref<256xi32, #tpu.memory_space<hbm>>) dst(%arg7 : memref<256xi32, #tpu.memory_space<vmem>>)
      tpu.yield
    }) : () -> ()
    %dma_start3A = arith.constant 0 : i32
    %dma_start3A_3 = arith.constant 0 : i32
    %dma_start3A_4 = tpu.memref_slice %arg2[%dma_start3A, %dma_start3A_3] : memref<8192x128xf32, #tpu.memory_space<hbm>> -> memref<8192x128xf32, #tpu.memory_space<hbm>>
    tpu.enqueue_indirect_dma source(%dma_start3A_4 : memref<8192x128xf32, #tpu.memory_space<hbm>>) target(%arg8 : memref<256x128xf32, #tpu.memory_space<vmem>>) offsets(%arg7 : memref<256xi32, #tpu.memory_space<vmem>>) semaphore(%arg12 : memref<!tpu.dma_semaphore, #tpu.memory_space<semaphore_mem>>)
    "tpu.region"() ({
      %run_scoped3A = tpu.sem_alloc : memref<!tpu.dma_semaphore, #tpu.memory_space<semaphore_mem>>
      %dma_start3A_18 = arith.constant 0 : i32
      %dma_start3A_19 = tpu.memref_slice %arg4[%mul3A_2, %dma_start3A_18] : memref<8192x64xf32, #tpu.memory_space<hbm>> -> memref<256x64xf32, #tpu.memory_space<hbm>>
      %dma_start3A_20 = arith.constant 0 : i32
      %dma_start3A_21 = tpu.memref_slice %arg4[%mul3A_2, %dma_start3A_20] : memref<8192x64xf32, #tpu.memory_space<hbm>> -> memref<256x64xf32, #tpu.memory_space<hbm>>
      tpu.enqueue_dma source(%dma_start3A_21 : memref<256x64xf32, #tpu.memory_space<hbm>>) target(%arg9 : memref<256x64xf32, #tpu.memory_space<vmem>>) target_semaphore(%run_scoped3A : memref<!tpu.dma_semaphore, #tpu.memory_space<semaphore_mem>>)
      %dma_wait3A_22 = arith.constant 0 : i32
      %dma_wait3A_23 = tpu.memref_slice %arg4[%mul3A_2, %dma_wait3A_22] : memref<8192x64xf32, #tpu.memory_space<hbm>> -> memref<256x64xf32, #tpu.memory_space<hbm>>
      %dma_wait3A_24 = arith.constant 0 : i32
      %dma_wait3A_25 = tpu.memref_slice %arg4[%mul3A_2, %dma_wait3A_24] : memref<8192x64xf32, #tpu.memory_space<hbm>> -> memref<256x64xf32, #tpu.memory_space<hbm>>
      tpu.wait_dma2 semaphore(%run_scoped3A : memref<!tpu.dma_semaphore, #tpu.memory_space<semaphore_mem>>) src(%dma_wait3A_25 : memref<256x64xf32, #tpu.memory_space<hbm>>) dst(%arg9 : memref<256x64xf32, #tpu.memory_space<vmem>>)
      tpu.yield
    }) : () -> ()
    %dma_wait3A = arith.constant 0 : i32
    %dma_wait3A_5 = arith.constant 0 : i32
    %dma_wait3A_6 = tpu.memref_slice %arg2[%dma_wait3A, %dma_wait3A_5] : memref<8192x128xf32, #tpu.memory_space<hbm>> -> memref<8192x128xf32, #tpu.memory_space<hbm>>
    tpu.wait_indirect_dma semaphore(%arg12 : memref<!tpu.dma_semaphore, #tpu.memory_space<semaphore_mem>>) src(%dma_wait3A_6 : memref<8192x128xf32, #tpu.memory_space<hbm>>) dst(%arg8 : memref<256x128xf32, #tpu.memory_space<vmem>>)
    %broadcast_in_dim3A = arith.constant 0.000000e+00 : f32
    %broadcast_in_dim3A_7 = vector.broadcast %broadcast_in_dim3A : f32 to vector<16xf32>
    %scan3A = arith.constant 0 : i32
    %scan3A_8 = arith.constant 256 : i32
    %scan3A_9 = arith.addi %scan3A, %scan3A_8 : i32
    %scan3A_10 = arith.constant 1 : i32
    %scan3A_11 = scf.for %scan3A_18 = %scan3A to %scan3A_9 step %scan3A_10 iter_args(%scan3A_19 = %broadcast_in_dim3A_7) -> (vector<16xf32>)  : i32 {
      %get3A = arith.index_cast %scan3A_18 : i32 to index
      %get3A_20 = arith.constant 0 : index
      %get3A_21 = tpu.vector_load %arg8[%get3A, %get3A_20] {strides = array<i32>} : memref<256x128xf32, #tpu.memory_space<vmem>>, vector<1x16xf32>,
      %get3A_22 = vector.shape_cast %get3A_21 : vector<1x16xf32> to vector<16xf32>
      %get3A_23 = arith.index_cast %scan3A_18 : i32 to index
      %get3A_24 = arith.constant 0 : index
      %get3A_25 = tpu.vector_load %arg9[%get3A_23, %get3A_24] {strides = array<i32>} : memref<256x64xf32, #tpu.memory_space<vmem>>, vector<1x16xf32>,
      %get3A_26 = vector.shape_cast %get3A_25 : vector<1x16xf32> to vector<16xf32>
      %sub3A = arith.subf %get3A_22, %get3A_26 : vector<16xf32>
      %add3A_27 = arith.addf %get3A_26, %sub3A : vector<16xf32>
      %swap3A_28 = arith.index_cast %scan3A_18 : i32 to index
      %swap3A_29 = arith.constant 0 : index
      %swap3A_30 = tpu.vector_load %arg10[%swap3A_28, %swap3A_29] {strides = array<i32>} : memref<256x64xf32, #tpu.memory_space<vmem>>, vector<1x16xf32>,
      %swap3A_31 = vector.shape_cast %swap3A_30 : vector<1x16xf32> to vector<16xf32>
      %swap3A_32 = vector.shape_cast %add3A_27 : vector<16xf32> to vector<1x16xf32>
      tpu.vector_store %arg10[%swap3A_28, %swap3A_29], %swap3A_32 {strides = array<i32>} : memref<256x64xf32, #tpu.memory_space<vmem>>, vector<1x16xf32>,
      %mul3A_33 = arith.mulf %sub3A, %sub3A : vector<16xf32>
      %add3A_34 = arith.addf %scan3A_19, %mul3A_33 : vector<16xf32>
      %get3A_35 = arith.index_cast %scan3A_18 : i32 to index
      %get3A_36 = arith.constant 16 : index
      %get3A_37 = tpu.vector_load %arg8[%get3A_35, %get3A_36] {strides = array<i32>} : memref<256x128xf32, #tpu.memory_space<vmem>>, vector<1x16xf32>,
      %get3A_38 = vector.shape_cast %get3A_37 : vector<1x16xf32> to vector<16xf32>
      %get3A_39 = arith.index_cast %scan3A_18 : i32 to index
      %get3A_40 = arith.constant 16 : index
      %get3A_41 = tpu.vector_load %arg9[%get3A_39, %get3A_40] {strides = array<i32>} : memref<256x64xf32, #tpu.memory_space<vmem>>, vector<1x16xf32>,
      %get3A_42 = vector.shape_cast %get3A_41 : vector<1x16xf32> to vector<16xf32>
      %sub3A_43 = arith.subf %get3A_38, %get3A_42 : vector<16xf32>
      %add3A_44 = arith.addf %get3A_42, %sub3A_43 : vector<16xf32>
      %swap3A_45 = arith.index_cast %scan3A_18 : i32 to index
      %swap3A_46 = arith.constant 16 : index
      %swap3A_47 = tpu.vector_load %arg10[%swap3A_45, %swap3A_46] {strides = array<i32>} : memref<256x64xf32, #tpu.memory_space<vmem>>, vector<1x16xf32>,
      %swap3A_48 = vector.shape_cast %swap3A_47 : vector<1x16xf32> to vector<16xf32>
      %swap3A_49 = vector.shape_cast %add3A_44 : vector<16xf32> to vector<1x16xf32>
      tpu.vector_store %arg10[%swap3A_45, %swap3A_46], %swap3A_49 {strides = array<i32>} : memref<256x64xf32, #tpu.memory_space<vmem>>, vector<1x16xf32>,
      %mul3A_50 = arith.mulf %sub3A_43, %sub3A_43 : vector<16xf32>
      %add3A_51 = arith.addf %add3A_34, %mul3A_50 : vector<16xf32>
      %get3A_52 = arith.index_cast %scan3A_18 : i32 to index
      %get3A_53 = arith.constant 32 : index
      %get3A_54 = tpu.vector_load %arg8[%get3A_52, %get3A_53] {strides = array<i32>} : memref<256x128xf32, #tpu.memory_space<vmem>>, vector<1x16xf32>,
      %get3A_55 = vector.shape_cast %get3A_54 : vector<1x16xf32> to vector<16xf32>
      %get3A_56 = arith.index_cast %scan3A_18 : i32 to index
      %get3A_57 = arith.constant 32 : index
      %get3A_58 = tpu.vector_load %arg9[%get3A_56, %get3A_57] {strides = array<i32>} : memref<256x64xf32, #tpu.memory_space<vmem>>, vector<1x16xf32>,
      %get3A_59 = vector.shape_cast %get3A_58 : vector<1x16xf32> to vector<16xf32>
      %sub3A_60 = arith.subf %get3A_55, %get3A_59 : vector<16xf32>
      %add3A_61 = arith.addf %get3A_59, %sub3A_60 : vector<16xf32>
      %swap3A_62 = arith.index_cast %scan3A_18 : i32 to index
      %swap3A_63 = arith.constant 32 : index
      %swap3A_64 = tpu.vector_load %arg10[%swap3A_62, %swap3A_63] {strides = array<i32>} : memref<256x64xf32, #tpu.memory_space<vmem>>, vector<1x16xf32>,
      %swap3A_65 = vector.shape_cast %swap3A_64 : vector<1x16xf32> to vector<16xf32>
      %swap3A_66 = vector.shape_cast %add3A_61 : vector<16xf32> to vector<1x16xf32>
      tpu.vector_store %arg10[%swap3A_62, %swap3A_63], %swap3A_66 {strides = array<i32>} : memref<256x64xf32, #tpu.memory_space<vmem>>, vector<1x16xf32>,
      %mul3A_67 = arith.mulf %sub3A_60, %sub3A_60 : vector<16xf32>
      %add3A_68 = arith.addf %add3A_51, %mul3A_67 : vector<16xf32>
      %get3A_69 = arith.index_cast %scan3A_18 : i32 to index
      %get3A_70 = arith.constant 48 : index
      %get3A_71 = tpu.vector_load %arg8[%get3A_69, %get3A_70] {strides = array<i32>} : memref<256x128xf32, #tpu.memory_space<vmem>>, vector<1x16xf32>,
      %get3A_72 = vector.shape_cast %get3A_71 : vector<1x16xf32> to vector<16xf32>
      %get3A_73 = arith.index_cast %scan3A_18 : i32 to index
      %get3A_74 = arith.constant 48 : index
      %get3A_75 = tpu.vector_load %arg9[%get3A_73, %get3A_74] {strides = array<i32>} : memref<256x64xf32, #tpu.memory_space<vmem>>, vector<1x16xf32>,
      %get3A_76 = vector.shape_cast %get3A_75 : vector<1x16xf32> to vector<16xf32>
      %sub3A_77 = arith.subf %get3A_72, %get3A_76 : vector<16xf32>
      %add3A_78 = arith.addf %get3A_76, %sub3A_77 : vector<16xf32>
      %swap3A_79 = arith.index_cast %scan3A_18 : i32 to index
      %swap3A_80 = arith.constant 48 : index
      %swap3A_81 = tpu.vector_load %arg10[%swap3A_79, %swap3A_80] {strides = array<i32>} : memref<256x64xf32, #tpu.memory_space<vmem>>, vector<1x16xf32>,
      %swap3A_82 = vector.shape_cast %swap3A_81 : vector<1x16xf32> to vector<16xf32>
      %swap3A_83 = vector.shape_cast %add3A_78 : vector<16xf32> to vector<1x16xf32>
      tpu.vector_store %arg10[%swap3A_79, %swap3A_80], %swap3A_83 {strides = array<i32>} : memref<256x64xf32, #tpu.memory_space<vmem>>, vector<1x16xf32>,
      %mul3A_84 = arith.mulf %sub3A_77, %sub3A_77 : vector<16xf32>
      %add3A_85 = arith.addf %add3A_68, %mul3A_84 : vector<16xf32>
      scf.yield %add3A_85 : vector<16xf32>
    }
    %scan3A_12 = arith.constant 256 : i32
    %swap3A = arith.constant 0 : index
    %swap3A_13 = tpu.vector_load %arg11[%swap3A] {strides = array<i32>} : memref<16xf32, #tpu.memory_space<vmem>>, vector<16xf32>,
    %swap3A_14 = vector.shape_cast %swap3A_13 : vector<16xf32> to vector<16xf32>
    %swap3A_15 = vector.shape_cast %scan3A_11 : vector<16xf32> to vector<16xf32>
    tpu.vector_store %arg11[%swap3A], %swap3A_15 {strides = array<i32>} : memref<16xf32, #tpu.memory_space<vmem>>, vector<16xf32>,
    "tpu.region"() ({
      %run_scoped3A = tpu.sem_alloc : memref<!tpu.dma_semaphore, #tpu.memory_space<semaphore_mem>>
      %dma_start3A_18 = arith.constant 0 : i32
      %dma_start3A_19 = tpu.memref_slice %arg5[%mul3A_2, %dma_start3A_18] : memref<8192x64xf32, #tpu.memory_space<hbm>> -> memref<256x64xf32, #tpu.memory_space<hbm>>
      %dma_start3A_20 = arith.constant 0 : i32
      %dma_start3A_21 = tpu.memref_slice %arg5[%mul3A_2, %dma_start3A_20] : memref<8192x64xf32, #tpu.memory_space<hbm>> -> memref<256x64xf32, #tpu.memory_space<hbm>>
      tpu.enqueue_dma source(%arg10 : memref<256x64xf32, #tpu.memory_space<vmem>>) target(%dma_start3A_21 : memref<256x64xf32, #tpu.memory_space<hbm>>) target_semaphore(%run_scoped3A : memref<!tpu.dma_semaphore, #tpu.memory_space<semaphore_mem>>)
      %dma_wait3A_22 = arith.constant 0 : i32
      %dma_wait3A_23 = tpu.memref_slice %arg5[%mul3A_2, %dma_wait3A_22] : memref<8192x64xf32, #tpu.memory_space<hbm>> -> memref<256x64xf32, #tpu.memory_space<hbm>>
      %dma_wait3A_24 = arith.constant 0 : i32
      %dma_wait3A_25 = tpu.memref_slice %arg5[%mul3A_2, %dma_wait3A_24] : memref<8192x64xf32, #tpu.memory_space<hbm>> -> memref<256x64xf32, #tpu.memory_space<hbm>>
      tpu.wait_dma2 semaphore(%run_scoped3A : memref<!tpu.dma_semaphore, #tpu.memory_space<semaphore_mem>>) src(%arg10 : memref<256x64xf32, #tpu.memory_space<vmem>>) dst(%dma_wait3A_25 : memref<256x64xf32, #tpu.memory_space<hbm>>)
      tpu.yield
    }) : () -> ()
    %mul3A_16 = arith.constant 16 : i32
    %mul3A_17 = arith.muli %add3A, %mul3A_16 : i32
    "tpu.region"() ({
      %run_scoped3A = tpu.sem_alloc : memref<!tpu.dma_semaphore, #tpu.memory_space<semaphore_mem>>
      %dma_start3A_18 = tpu.memref_slice %arg6[%mul3A_17] : memref<512xf32, #tpu.memory_space<hbm>> -> memref<16xf32, #tpu.memory_space<hbm>>
      %dma_start3A_19 = tpu.memref_slice %arg6[%mul3A_17] : memref<512xf32, #tpu.memory_space<hbm>> -> memref<16xf32, #tpu.memory_space<hbm>>
      tpu.enqueue_dma source(%arg11 : memref<16xf32, #tpu.memory_space<vmem>>) target(%dma_start3A_19 : memref<16xf32, #tpu.memory_space<hbm>>) target_semaphore(%run_scoped3A : memref<!tpu.dma_semaphore, #tpu.memory_space<semaphore_mem>>)
      %dma_wait3A_20 = tpu.memref_slice %arg6[%mul3A_17] : memref<512xf32, #tpu.memory_space<hbm>> -> memref<16xf32, #tpu.memory_space<hbm>>
      %dma_wait3A_21 = tpu.memref_slice %arg6[%mul3A_17] : memref<512xf32, #tpu.memory_space<hbm>> -> memref<16xf32, #tpu.memory_space<hbm>>
      tpu.wait_dma2 semaphore(%run_scoped3A : memref<!tpu.dma_semaphore, #tpu.memory_space<semaphore_mem>>) src(%arg11 : memref<16xf32, #tpu.memory_space<vmem>>) dst(%dma_wait3A_21 : memref<16xf32, #tpu.memory_space<hbm>>)
      tpu.yield
    }) : () -> ()
    return
  }
}

module attributes {stable_mosaic.version = 14 : i64} {
  func.func @_argmin_body(%arg0: i32, %arg1: memref<1024x64xf32, #tpu.memory_space<vmem>>, %arg2: memref<8192x64xf32, #tpu.memory_space<vmem>>, %arg3: memref<1x1x1024xi32, #tpu.memory_space<vmem>>, %arg4: memref<8192x128xf32, #tpu.memory_space<vmem>>, %arg5: memref<8192x64xf32, #tpu.memory_space<vmem>>, %arg6: memref<8192x1xf32, #tpu.memory_space<vmem>>) attributes {dimension_semantics = [#tpu.dimension_semantics<arbitrary>], iteration_bounds = array<i64: 8>, scalar_prefetch = 0 : i64, scratch_operands = 2 : i64, tpu.core_type = #tpu.core_type<tc>, window_params = [{transform_indices = @transform_0, window_bounds = array<i64: 1024, 64>}, {pipeline_mode = #tpu.pipeline_mode<synchronous>, transform_indices = @transform_1, window_bounds = array<i64: 8192, 64>}, {transform_indices = @transform_2, window_bounds = array<i64: 1, 1, 1024>}, {pipeline_mode = #tpu.pipeline_mode<synchronous>, transform_indices = @transform_3, window_bounds = array<i64: 8192, 128>}]} {
    %eq3A = arith.constant 0 : i32
    %eq3A_0 = arith.cmpi eq, %arg0, %eq3A : i32
    %convert_element_type3A = arith.extui %eq3A_0 : i1 to i32
    %cond3A = arith.constant 0 : i32
    %cond3A_1 = arith.cmpi ne, %convert_element_type3A, %cond3A : i32
    scf.if %cond3A_1 {
      %get3A_981 = arith.constant 0 : index
      %get3A_982 = arith.constant 0 : index
      %get3A_983 = vector.load %arg2[%get3A_981, %get3A_982] : memref<8192x64xf32, #tpu.memory_space<vmem>>, vector<8192x64xf32>
      %mul3A_984 = arith.constant -2.000000e+00 : f32
      %mul3A_985 = vector.broadcast %mul3A_984 : f32 to vector<8192x64xf32>
      %mul3A_986 = arith.mulf %get3A_983, %mul3A_985 : vector<8192x64xf32>
      %swap3A_987 = arith.constant 0 : index
      %swap3A_988 = arith.constant 0 : index
      %swap3A_989 = vector.load %arg5[%swap3A_987, %swap3A_988] : memref<8192x64xf32, #tpu.memory_space<vmem>>, vector<8192x64xf32>
      tpu.vector_store %arg5[%swap3A_987, %swap3A_988], %mul3A_986 {strides = array<i32>} : memref<8192x64xf32, #tpu.memory_space<vmem>>, vector<8192x64xf32>,
      %mul3A_990 = arith.mulf %get3A_983, %get3A_983 : vector<8192x64xf32>
      %reduce_sum3A_991 = arith.constant dense<0.000000e+00> : vector<8192xf32>
      %reduce_sum3A_992 = vector.multi_reduction <add>, %mul3A_990, %reduce_sum3A_991 [1] : vector<8192x64xf32> to vector<8192xf32>
      %broadcast_in_dim3A_993 = vector.shape_cast %reduce_sum3A_992 : vector<8192xf32> to vector<8192x1xf32>
      %swap3A_994 = arith.constant 0 : index
      %swap3A_995 = arith.constant 0 : index
      %swap3A_996 = vector.load %arg6[%swap3A_994, %swap3A_995] : memref<8192x1xf32, #tpu.memory_space<vmem>>, vector<8192x1xf32>
      tpu.vector_store %arg6[%swap3A_994, %swap3A_995], %broadcast_in_dim3A_993 {strides = array<i32>} : memref<8192x1xf32, #tpu.memory_space<vmem>>, vector<8192x1xf32>,
      %swap3A_997 = arith.constant 0 : index
      %swap3A_998 = arith.constant 0 : index
      %swap3A_999 = vector.load %arg4[%swap3A_997, %swap3A_998] : memref<8192x128xf32, #tpu.memory_space<vmem>>, vector<8192x64xf32>
      tpu.vector_store %arg4[%swap3A_997, %swap3A_998], %get3A_983 {strides = array<i32>} : memref<8192x128xf32, #tpu.memory_space<vmem>>, vector<8192x64xf32>,
      %broadcast_in_dim3A_1000 = arith.constant 0.000000e+00 : f32
      %broadcast_in_dim3A_1001 = vector.broadcast %broadcast_in_dim3A_1000 : f32 to vector<8192x64xf32>
      %swap3A_1002 = arith.constant 0 : index
      %swap3A_1003 = arith.constant 64 : index
      %swap3A_1004 = vector.load %arg4[%swap3A_1002, %swap3A_1003] : memref<8192x128xf32, #tpu.memory_space<vmem>>, vector<8192x64xf32>
      tpu.vector_store %arg4[%swap3A_1002, %swap3A_1003], %broadcast_in_dim3A_1001 {strides = array<i32>} : memref<8192x128xf32, #tpu.memory_space<vmem>>, vector<8192x64xf32>,
    } else {
    }
    %get3A = arith.constant 0 : index
    %get3A_2 = arith.constant 0 : index
    %get3A_3 = vector.load %arg1[%get3A, %get3A_2] : memref<1024x64xf32, #tpu.memory_space<vmem>>, vector<1024x64xf32>
    %mul3A = arith.mulf %get3A_3, %get3A_3 : vector<1024x64xf32>
    %reduce_sum3A = arith.constant dense<0.000000e+00> : vector<1024xf32>
    %reduce_sum3A_4 = vector.multi_reduction <add>, %mul3A, %reduce_sum3A [1] : vector<1024x64xf32> to vector<1024xf32>
    %broadcast_in_dim3A = vector.shape_cast %reduce_sum3A_4 : vector<1024xf32> to vector<1024x1xf32>
    %iota3A = tpu.iota {dimensions = array<i32: 1>} : vector<1x128xi32>
    %convert_element_type3A_5 = arith.sitofp %iota3A : vector<1x128xi32> to vector<1x128xf32>
    %get3A_6 = arith.constant 0 : index
    %get3A_7 = arith.constant 0 : index
    %get3A_8 = vector.load %arg5[%get3A_6, %get3A_7] : memref<8192x64xf32, #tpu.memory_space<vmem>>, vector<8192x64xf32>
    %dot_general3A = arith.constant dense<0.000000e+00> : vector<1024x8192xf32>
    %dot_general3A_9 = tpu.matmul %get3A_3, %get3A_8, %dot_general3A {dimension_numbers = #tpu.dot_dimension_numbers<[1], [1], [0], [0], [0, 0, 1, 0], [], []>, transpose_lhs_hint = false} : vector<1024x64xf32>, vector<8192x64xf32>, vector<1024x8192xf32> -> vector<1024x8192xf32>
    %get3A_10 = arith.constant 0 : index
    %get3A_11 = arith.constant 0 : index
    %get3A_12 = vector.load %arg6[%get3A_10, %get3A_11] : memref<8192x1xf32, #tpu.memory_space<vmem>>, vector<8192x1xf32>
    %get3A_13 = vector.shape_cast %get3A_12 : vector<8192x1xf32> to vector<8192xf32>
    %slice3A = vector.extract_strided_slice %dot_general3A_9 {offsets = [0, 0], sizes = [1024, 128], strides = [1, 1]} : vector<1024x8192xf32> to vector<1024x128xf32>
    %add3A = vector.broadcast %broadcast_in_dim3A : vector<1024x1xf32> to vector<1024x128xf32>
    %add3A_14 = arith.addf %add3A, %slice3A : vector<1024x128xf32>
    %slice3A_15 = vector.extract_strided_slice %get3A_13 {offsets = [0], sizes = [128], strides = [1]} : vector<8192xf32> to vector<128xf32>
    %broadcast_in_dim3A_16 = vector.shape_cast %slice3A_15 : vector<128xf32> to vector<1x128xf32>
    %add3A_17 = vector.broadcast %broadcast_in_dim3A_16 : vector<1x128xf32> to vector<1024x128xf32>
    %add3A_18 = arith.addf %add3A_14, %add3A_17 : vector<1024x128xf32>
    %add3A_19 = arith.constant 0.000000e+00 : f32
    %add3A_20 = vector.broadcast %add3A_19 : f32 to vector<1x128xf32>
    %add3A_21 = arith.addf %convert_element_type3A_5, %add3A_20 : vector<1x128xf32>
    %broadcast_in_dim3A_22 = vector.shape_cast %add3A_21 : vector<1x128xf32> to vector<1x128xf32>
    %broadcast_in_dim3A_23 = vector.broadcast %broadcast_in_dim3A_22 : vector<1x128xf32> to vector<1024x128xf32>
    %slice3A_24 = vector.extract_strided_slice %dot_general3A_9 {offsets = [0, 128], sizes = [1024, 128], strides = [1, 1]} : vector<1024x8192xf32> to vector<1024x128xf32>
    %add3A_25 = vector.broadcast %broadcast_in_dim3A : vector<1024x1xf32> to vector<1024x128xf32>
    %add3A_26 = arith.addf %add3A_25, %slice3A_24 : vector<1024x128xf32>
    %slice3A_27 = vector.extract_strided_slice %get3A_13 {offsets = [128], sizes = [128], strides = [1]} : vector<8192xf32> to vector<128xf32>
    %broadcast_in_dim3A_28 = vector.shape_cast %slice3A_27 : vector<128xf32> to vector<1x128xf32>
    %add3A_29 = vector.broadcast %broadcast_in_dim3A_28 : vector<1x128xf32> to vector<1024x128xf32>
    %add3A_30 = arith.addf %add3A_26, %add3A_29 : vector<1024x128xf32>
    %add3A_31 = arith.constant 1.280000e+02 : f32
    %add3A_32 = vector.broadcast %add3A_31 : f32 to vector<1x128xf32>
    %add3A_33 = arith.addf %convert_element_type3A_5, %add3A_32 : vector<1x128xf32>
    %lt3A = arith.cmpf olt, %add3A_30, %add3A_18 : vector<1024x128xf32>
    %select_n3A = arith.select %lt3A, %add3A_30, %add3A_18 : vector<1024x128xi1>, vector<1024x128xf32>
    %broadcast_in_dim3A_34 = vector.shape_cast %add3A_33 : vector<1x128xf32> to vector<1x128xf32>
    %broadcast_in_dim3A_35 = vector.broadcast %broadcast_in_dim3A_34 : vector<1x128xf32> to vector<1024x128xf32>
    %select_n3A_36 = arith.select %lt3A, %broadcast_in_dim3A_35, %broadcast_in_dim3A_23 : vector<1024x128xi1>, vector<1024x128xf32>
    %slice3A_37 = vector.extract_strided_slice %dot_general3A_9 {offsets = [0, 256], sizes = [1024, 128], strides = [1, 1]} : vector<1024x8192xf32> to vector<1024x128xf32>
    %add3A_38 = vector.broadcast %broadcast_in_dim3A : vector<1024x1xf32> to vector<1024x128xf32>
    %add3A_39 = arith.addf %add3A_38, %slice3A_37 : vector<1024x128xf32>
    %slice3A_40 = vector.extract_strided_slice %get3A_13 {offsets = [256], sizes = [128], strides = [1]} : vector<8192xf32> to vector<128xf32>
    %broadcast_in_dim3A_41 = vector.shape_cast %slice3A_40 : vector<128xf32> to vector<1x128xf32>
    %add3A_42 = vector.broadcast %broadcast_in_dim3A_41 : vector<1x128xf32> to vector<1024x128xf32>
    %add3A_43 = arith.addf %add3A_39, %add3A_42 : vector<1024x128xf32>
    %add3A_44 = arith.constant 2.560000e+02 : f32
    %add3A_45 = vector.broadcast %add3A_44 : f32 to vector<1x128xf32>
    %add3A_46 = arith.addf %convert_element_type3A_5, %add3A_45 : vector<1x128xf32>
    %lt3A_47 = arith.cmpf olt, %add3A_43, %select_n3A : vector<1024x128xf32>
    %select_n3A_48 = arith.select %lt3A_47, %add3A_43, %select_n3A : vector<1024x128xi1>, vector<1024x128xf32>
    %broadcast_in_dim3A_49 = vector.shape_cast %add3A_46 : vector<1x128xf32> to vector<1x128xf32>
    %broadcast_in_dim3A_50 = vector.broadcast %broadcast_in_dim3A_49 : vector<1x128xf32> to vector<1024x128xf32>
    %select_n3A_51 = arith.select %lt3A_47, %broadcast_in_dim3A_50, %select_n3A_36 : vector<1024x128xi1>, vector<1024x128xf32>
    %slice3A_52 = vector.extract_strided_slice %dot_general3A_9 {offsets = [0, 384], sizes = [1024, 128], strides = [1, 1]} : vector<1024x8192xf32> to vector<1024x128xf32>
    %add3A_53 = vector.broadcast %broadcast_in_dim3A : vector<1024x1xf32> to vector<1024x128xf32>
    %add3A_54 = arith.addf %add3A_53, %slice3A_52 : vector<1024x128xf32>
    %slice3A_55 = vector.extract_strided_slice %get3A_13 {offsets = [384], sizes = [128], strides = [1]} : vector<8192xf32> to vector<128xf32>
    %broadcast_in_dim3A_56 = vector.shape_cast %slice3A_55 : vector<128xf32> to vector<1x128xf32>
    %add3A_57 = vector.broadcast %broadcast_in_dim3A_56 : vector<1x128xf32> to vector<1024x128xf32>
    %add3A_58 = arith.addf %add3A_54, %add3A_57 : vector<1024x128xf32>
    %add3A_59 = arith.constant 3.840000e+02 : f32
    %add3A_60 = vector.broadcast %add3A_59 : f32 to vector<1x128xf32>
    %add3A_61 = arith.addf %convert_element_type3A_5, %add3A_60 : vector<1x128xf32>
    %lt3A_62 = arith.cmpf olt, %add3A_58, %select_n3A_48 : vector<1024x128xf32>
    %select_n3A_63 = arith.select %lt3A_62, %add3A_58, %select_n3A_48 : vector<1024x128xi1>, vector<1024x128xf32>
    %broadcast_in_dim3A_64 = vector.shape_cast %add3A_61 : vector<1x128xf32> to vector<1x128xf32>
    %broadcast_in_dim3A_65 = vector.broadcast %broadcast_in_dim3A_64 : vector<1x128xf32> to vector<1024x128xf32>
    %select_n3A_66 = arith.select %lt3A_62, %broadcast_in_dim3A_65, %select_n3A_51 : vector<1024x128xi1>, vector<1024x128xf32>
    %slice3A_67 = vector.extract_strided_slice %dot_general3A_9 {offsets = [0, 512], sizes = [1024, 128], strides = [1, 1]} : vector<1024x8192xf32> to vector<1024x128xf32>
    %add3A_68 = vector.broadcast %broadcast_in_dim3A : vector<1024x1xf32> to vector<1024x128xf32>
    %add3A_69 = arith.addf %add3A_68, %slice3A_67 : vector<1024x128xf32>
    %slice3A_70 = vector.extract_strided_slice %get3A_13 {offsets = [512], sizes = [128], strides = [1]} : vector<8192xf32> to vector<128xf32>
    %broadcast_in_dim3A_71 = vector.shape_cast %slice3A_70 : vector<128xf32> to vector<1x128xf32>
    %add3A_72 = vector.broadcast %broadcast_in_dim3A_71 : vector<1x128xf32> to vector<1024x128xf32>
    %add3A_73 = arith.addf %add3A_69, %add3A_72 : vector<1024x128xf32>
    %add3A_74 = arith.constant 5.120000e+02 : f32
    %add3A_75 = vector.broadcast %add3A_74 : f32 to vector<1x128xf32>
    %add3A_76 = arith.addf %convert_element_type3A_5, %add3A_75 : vector<1x128xf32>
    %lt3A_77 = arith.cmpf olt, %add3A_73, %select_n3A_63 : vector<1024x128xf32>
    %select_n3A_78 = arith.select %lt3A_77, %add3A_73, %select_n3A_63 : vector<1024x128xi1>, vector<1024x128xf32>
    %broadcast_in_dim3A_79 = vector.shape_cast %add3A_76 : vector<1x128xf32> to vector<1x128xf32>
    %broadcast_in_dim3A_80 = vector.broadcast %broadcast_in_dim3A_79 : vector<1x128xf32> to vector<1024x128xf32>
    %select_n3A_81 = arith.select %lt3A_77, %broadcast_in_dim3A_80, %select_n3A_66 : vector<1024x128xi1>, vector<1024x128xf32>
    %slice3A_82 = vector.extract_strided_slice %dot_general3A_9 {offsets = [0, 640], sizes = [1024, 128], strides = [1, 1]} : vector<1024x8192xf32> to vector<1024x128xf32>
    %add3A_83 = vector.broadcast %broadcast_in_dim3A : vector<1024x1xf32> to vector<1024x128xf32>
    %add3A_84 = arith.addf %add3A_83, %slice3A_82 : vector<1024x128xf32>
    %slice3A_85 = vector.extract_strided_slice %get3A_13 {offsets = [640], sizes = [128], strides = [1]} : vector<8192xf32> to vector<128xf32>
    %broadcast_in_dim3A_86 = vector.shape_cast %slice3A_85 : vector<128xf32> to vector<1x128xf32>
    %add3A_87 = vector.broadcast %broadcast_in_dim3A_86 : vector<1x128xf32> to vector<1024x128xf32>
    %add3A_88 = arith.addf %add3A_84, %add3A_87 : vector<1024x128xf32>
    %add3A_89 = arith.constant 6.400000e+02 : f32
    %add3A_90 = vector.broadcast %add3A_89 : f32 to vector<1x128xf32>
    %add3A_91 = arith.addf %convert_element_type3A_5, %add3A_90 : vector<1x128xf32>
    %lt3A_92 = arith.cmpf olt, %add3A_88, %select_n3A_78 : vector<1024x128xf32>
    %select_n3A_93 = arith.select %lt3A_92, %add3A_88, %select_n3A_78 : vector<1024x128xi1>, vector<1024x128xf32>
    %broadcast_in_dim3A_94 = vector.shape_cast %add3A_91 : vector<1x128xf32> to vector<1x128xf32>
    %broadcast_in_dim3A_95 = vector.broadcast %broadcast_in_dim3A_94 : vector<1x128xf32> to vector<1024x128xf32>
    %select_n3A_96 = arith.select %lt3A_92, %broadcast_in_dim3A_95, %select_n3A_81 : vector<1024x128xi1>, vector<1024x128xf32>
    %slice3A_97 = vector.extract_strided_slice %dot_general3A_9 {offsets = [0, 768], sizes = [1024, 128], strides = [1, 1]} : vector<1024x8192xf32> to vector<1024x128xf32>
    %add3A_98 = vector.broadcast %broadcast_in_dim3A : vector<1024x1xf32> to vector<1024x128xf32>
    %add3A_99 = arith.addf %add3A_98, %slice3A_97 : vector<1024x128xf32>
    %slice3A_100 = vector.extract_strided_slice %get3A_13 {offsets = [768], sizes = [128], strides = [1]} : vector<8192xf32> to vector<128xf32>
    %broadcast_in_dim3A_101 = vector.shape_cast %slice3A_100 : vector<128xf32> to vector<1x128xf32>
    %add3A_102 = vector.broadcast %broadcast_in_dim3A_101 : vector<1x128xf32> to vector<1024x128xf32>
    %add3A_103 = arith.addf %add3A_99, %add3A_102 : vector<1024x128xf32>
    %add3A_104 = arith.constant 7.680000e+02 : f32
    %add3A_105 = vector.broadcast %add3A_104 : f32 to vector<1x128xf32>
    %add3A_106 = arith.addf %convert_element_type3A_5, %add3A_105 : vector<1x128xf32>
    %lt3A_107 = arith.cmpf olt, %add3A_103, %select_n3A_93 : vector<1024x128xf32>
    %select_n3A_108 = arith.select %lt3A_107, %add3A_103, %select_n3A_93 : vector<1024x128xi1>, vector<1024x128xf32>
    %broadcast_in_dim3A_109 = vector.shape_cast %add3A_106 : vector<1x128xf32> to vector<1x128xf32>
    %broadcast_in_dim3A_110 = vector.broadcast %broadcast_in_dim3A_109 : vector<1x128xf32> to vector<1024x128xf32>
    %select_n3A_111 = arith.select %lt3A_107, %broadcast_in_dim3A_110, %select_n3A_96 : vector<1024x128xi1>, vector<1024x128xf32>
    %slice3A_112 = vector.extract_strided_slice %dot_general3A_9 {offsets = [0, 896], sizes = [1024, 128], strides = [1, 1]} : vector<1024x8192xf32> to vector<1024x128xf32>
    %add3A_113 = vector.broadcast %broadcast_in_dim3A : vector<1024x1xf32> to vector<1024x128xf32>
    %add3A_114 = arith.addf %add3A_113, %slice3A_112 : vector<1024x128xf32>
    %slice3A_115 = vector.extract_strided_slice %get3A_13 {offsets = [896], sizes = [128], strides = [1]} : vector<8192xf32> to vector<128xf32>
    %broadcast_in_dim3A_116 = vector.shape_cast %slice3A_115 : vector<128xf32> to vector<1x128xf32>
    %add3A_117 = vector.broadcast %broadcast_in_dim3A_116 : vector<1x128xf32> to vector<1024x128xf32>
    %add3A_118 = arith.addf %add3A_114, %add3A_117 : vector<1024x128xf32>
    %add3A_119 = arith.constant 8.960000e+02 : f32
    %add3A_120 = vector.broadcast %add3A_119 : f32 to vector<1x128xf32>
    %add3A_121 = arith.addf %convert_element_type3A_5, %add3A_120 : vector<1x128xf32>
    %lt3A_122 = arith.cmpf olt, %add3A_118, %select_n3A_108 : vector<1024x128xf32>
    %select_n3A_123 = arith.select %lt3A_122, %add3A_118, %select_n3A_108 : vector<1024x128xi1>, vector<1024x128xf32>
    %broadcast_in_dim3A_124 = vector.shape_cast %add3A_121 : vector<1x128xf32> to vector<1x128xf32>
    %broadcast_in_dim3A_125 = vector.broadcast %broadcast_in_dim3A_124 : vector<1x128xf32> to vector<1024x128xf32>
    %select_n3A_126 = arith.select %lt3A_122, %broadcast_in_dim3A_125, %select_n3A_111 : vector<1024x128xi1>, vector<1024x128xf32>
    %slice3A_127 = vector.extract_strided_slice %dot_general3A_9 {offsets = [0, 1024], sizes = [1024, 128], strides = [1, 1]} : vector<1024x8192xf32> to vector<1024x128xf32>
    %add3A_128 = vector.broadcast %broadcast_in_dim3A : vector<1024x1xf32> to vector<1024x128xf32>
    %add3A_129 = arith.addf %add3A_128, %slice3A_127 : vector<1024x128xf32>
    %slice3A_130 = vector.extract_strided_slice %get3A_13 {offsets = [1024], sizes = [128], strides = [1]} : vector<8192xf32> to vector<128xf32>
    %broadcast_in_dim3A_131 = vector.shape_cast %slice3A_130 : vector<128xf32> to vector<1x128xf32>
    %add3A_132 = vector.broadcast %broadcast_in_dim3A_131 : vector<1x128xf32> to vector<1024x128xf32>
    %add3A_133 = arith.addf %add3A_129, %add3A_132 : vector<1024x128xf32>
    %add3A_134 = arith.constant 1.024000e+03 : f32
    %add3A_135 = vector.broadcast %add3A_134 : f32 to vector<1x128xf32>
    %add3A_136 = arith.addf %convert_element_type3A_5, %add3A_135 : vector<1x128xf32>
    %lt3A_137 = arith.cmpf olt, %add3A_133, %select_n3A_123 : vector<1024x128xf32>
    %select_n3A_138 = arith.select %lt3A_137, %add3A_133, %select_n3A_123 : vector<1024x128xi1>, vector<1024x128xf32>
    %broadcast_in_dim3A_139 = vector.shape_cast %add3A_136 : vector<1x128xf32> to vector<1x128xf32>
    %broadcast_in_dim3A_140 = vector.broadcast %broadcast_in_dim3A_139 : vector<1x128xf32> to vector<1024x128xf32>
    %select_n3A_141 = arith.select %lt3A_137, %broadcast_in_dim3A_140, %select_n3A_126 : vector<1024x128xi1>, vector<1024x128xf32>
    %slice3A_142 = vector.extract_strided_slice %dot_general3A_9 {offsets = [0, 1152], sizes = [1024, 128], strides = [1, 1]} : vector<1024x8192xf32> to vector<1024x128xf32>
    %add3A_143 = vector.broadcast %broadcast_in_dim3A : vector<1024x1xf32> to vector<1024x128xf32>
    %add3A_144 = arith.addf %add3A_143, %slice3A_142 : vector<1024x128xf32>
    %slice3A_145 = vector.extract_strided_slice %get3A_13 {offsets = [1152], sizes = [128], strides = [1]} : vector<8192xf32> to vector<128xf32>
    %broadcast_in_dim3A_146 = vector.shape_cast %slice3A_145 : vector<128xf32> to vector<1x128xf32>
    %add3A_147 = vector.broadcast %broadcast_in_dim3A_146 : vector<1x128xf32> to vector<1024x128xf32>
    %add3A_148 = arith.addf %add3A_144, %add3A_147 : vector<1024x128xf32>
    %add3A_149 = arith.constant 1.152000e+03 : f32
    %add3A_150 = vector.broadcast %add3A_149 : f32 to vector<1x128xf32>
    %add3A_151 = arith.addf %convert_element_type3A_5, %add3A_150 : vector<1x128xf32>
    %lt3A_152 = arith.cmpf olt, %add3A_148, %select_n3A_138 : vector<1024x128xf32>
    %select_n3A_153 = arith.select %lt3A_152, %add3A_148, %select_n3A_138 : vector<1024x128xi1>, vector<1024x128xf32>
    %broadcast_in_dim3A_154 = vector.shape_cast %add3A_151 : vector<1x128xf32> to vector<1x128xf32>
    %broadcast_in_dim3A_155 = vector.broadcast %broadcast_in_dim3A_154 : vector<1x128xf32> to vector<1024x128xf32>
    %select_n3A_156 = arith.select %lt3A_152, %broadcast_in_dim3A_155, %select_n3A_141 : vector<1024x128xi1>, vector<1024x128xf32>
    %slice3A_157 = vector.extract_strided_slice %dot_general3A_9 {offsets = [0, 1280], sizes = [1024, 128], strides = [1, 1]} : vector<1024x8192xf32> to vector<1024x128xf32>
    %add3A_158 = vector.broadcast %broadcast_in_dim3A : vector<1024x1xf32> to vector<1024x128xf32>
    %add3A_159 = arith.addf %add3A_158, %slice3A_157 : vector<1024x128xf32>
    %slice3A_160 = vector.extract_strided_slice %get3A_13 {offsets = [1280], sizes = [128], strides = [1]} : vector<8192xf32> to vector<128xf32>
    %broadcast_in_dim3A_161 = vector.shape_cast %slice3A_160 : vector<128xf32> to vector<1x128xf32>
    %add3A_162 = vector.broadcast %broadcast_in_dim3A_161 : vector<1x128xf32> to vector<1024x128xf32>
    %add3A_163 = arith.addf %add3A_159, %add3A_162 : vector<1024x128xf32>
    %add3A_164 = arith.constant 1.280000e+03 : f32
    %add3A_165 = vector.broadcast %add3A_164 : f32 to vector<1x128xf32>
    %add3A_166 = arith.addf %convert_element_type3A_5, %add3A_165 : vector<1x128xf32>
    %lt3A_167 = arith.cmpf olt, %add3A_163, %select_n3A_153 : vector<1024x128xf32>
    %select_n3A_168 = arith.select %lt3A_167, %add3A_163, %select_n3A_153 : vector<1024x128xi1>, vector<1024x128xf32>
    %broadcast_in_dim3A_169 = vector.shape_cast %add3A_166 : vector<1x128xf32> to vector<1x128xf32>
    %broadcast_in_dim3A_170 = vector.broadcast %broadcast_in_dim3A_169 : vector<1x128xf32> to vector<1024x128xf32>
    %select_n3A_171 = arith.select %lt3A_167, %broadcast_in_dim3A_170, %select_n3A_156 : vector<1024x128xi1>, vector<1024x128xf32>
    %slice3A_172 = vector.extract_strided_slice %dot_general3A_9 {offsets = [0, 1408], sizes = [1024, 128], strides = [1, 1]} : vector<1024x8192xf32> to vector<1024x128xf32>
    %add3A_173 = vector.broadcast %broadcast_in_dim3A : vector<1024x1xf32> to vector<1024x128xf32>
    %add3A_174 = arith.addf %add3A_173, %slice3A_172 : vector<1024x128xf32>
    %slice3A_175 = vector.extract_strided_slice %get3A_13 {offsets = [1408], sizes = [128], strides = [1]} : vector<8192xf32> to vector<128xf32>
    %broadcast_in_dim3A_176 = vector.shape_cast %slice3A_175 : vector<128xf32> to vector<1x128xf32>
    %add3A_177 = vector.broadcast %broadcast_in_dim3A_176 : vector<1x128xf32> to vector<1024x128xf32>
    %add3A_178 = arith.addf %add3A_174, %add3A_177 : vector<1024x128xf32>
    %add3A_179 = arith.constant 1.408000e+03 : f32
    %add3A_180 = vector.broadcast %add3A_179 : f32 to vector<1x128xf32>
    %add3A_181 = arith.addf %convert_element_type3A_5, %add3A_180 : vector<1x128xf32>
    %lt3A_182 = arith.cmpf olt, %add3A_178, %select_n3A_168 : vector<1024x128xf32>
    %select_n3A_183 = arith.select %lt3A_182, %add3A_178, %select_n3A_168 : vector<1024x128xi1>, vector<1024x128xf32>
    %broadcast_in_dim3A_184 = vector.shape_cast %add3A_181 : vector<1x128xf32> to vector<1x128xf32>
    %broadcast_in_dim3A_185 = vector.broadcast %broadcast_in_dim3A_184 : vector<1x128xf32> to vector<1024x128xf32>
    %select_n3A_186 = arith.select %lt3A_182, %broadcast_in_dim3A_185, %select_n3A_171 : vector<1024x128xi1>, vector<1024x128xf32>
    %slice3A_187 = vector.extract_strided_slice %dot_general3A_9 {offsets = [0, 1536], sizes = [1024, 128], strides = [1, 1]} : vector<1024x8192xf32> to vector<1024x128xf32>
    %add3A_188 = vector.broadcast %broadcast_in_dim3A : vector<1024x1xf32> to vector<1024x128xf32>
    %add3A_189 = arith.addf %add3A_188, %slice3A_187 : vector<1024x128xf32>
    %slice3A_190 = vector.extract_strided_slice %get3A_13 {offsets = [1536], sizes = [128], strides = [1]} : vector<8192xf32> to vector<128xf32>
    %broadcast_in_dim3A_191 = vector.shape_cast %slice3A_190 : vector<128xf32> to vector<1x128xf32>
    %add3A_192 = vector.broadcast %broadcast_in_dim3A_191 : vector<1x128xf32> to vector<1024x128xf32>
    %add3A_193 = arith.addf %add3A_189, %add3A_192 : vector<1024x128xf32>
    %add3A_194 = arith.constant 1.536000e+03 : f32
    %add3A_195 = vector.broadcast %add3A_194 : f32 to vector<1x128xf32>
    %add3A_196 = arith.addf %convert_element_type3A_5, %add3A_195 : vector<1x128xf32>
    %lt3A_197 = arith.cmpf olt, %add3A_193, %select_n3A_183 : vector<1024x128xf32>
    %select_n3A_198 = arith.select %lt3A_197, %add3A_193, %select_n3A_183 : vector<1024x128xi1>, vector<1024x128xf32>
    %broadcast_in_dim3A_199 = vector.shape_cast %add3A_196 : vector<1x128xf32> to vector<1x128xf32>
    %broadcast_in_dim3A_200 = vector.broadcast %broadcast_in_dim3A_199 : vector<1x128xf32> to vector<1024x128xf32>
    %select_n3A_201 = arith.select %lt3A_197, %broadcast_in_dim3A_200, %select_n3A_186 : vector<1024x128xi1>, vector<1024x128xf32>
    %slice3A_202 = vector.extract_strided_slice %dot_general3A_9 {offsets = [0, 1664], sizes = [1024, 128], strides = [1, 1]} : vector<1024x8192xf32> to vector<1024x128xf32>
    %add3A_203 = vector.broadcast %broadcast_in_dim3A : vector<1024x1xf32> to vector<1024x128xf32>
    %add3A_204 = arith.addf %add3A_203, %slice3A_202 : vector<1024x128xf32>
    %slice3A_205 = vector.extract_strided_slice %get3A_13 {offsets = [1664], sizes = [128], strides = [1]} : vector<8192xf32> to vector<128xf32>
    %broadcast_in_dim3A_206 = vector.shape_cast %slice3A_205 : vector<128xf32> to vector<1x128xf32>
    %add3A_207 = vector.broadcast %broadcast_in_dim3A_206 : vector<1x128xf32> to vector<1024x128xf32>
    %add3A_208 = arith.addf %add3A_204, %add3A_207 : vector<1024x128xf32>
    %add3A_209 = arith.constant 1.664000e+03 : f32
    %add3A_210 = vector.broadcast %add3A_209 : f32 to vector<1x128xf32>
    %add3A_211 = arith.addf %convert_element_type3A_5, %add3A_210 : vector<1x128xf32>
    %lt3A_212 = arith.cmpf olt, %add3A_208, %select_n3A_198 : vector<1024x128xf32>
    %select_n3A_213 = arith.select %lt3A_212, %add3A_208, %select_n3A_198 : vector<1024x128xi1>, vector<1024x128xf32>
    %broadcast_in_dim3A_214 = vector.shape_cast %add3A_211 : vector<1x128xf32> to vector<1x128xf32>
    %broadcast_in_dim3A_215 = vector.broadcast %broadcast_in_dim3A_214 : vector<1x128xf32> to vector<1024x128xf32>
    %select_n3A_216 = arith.select %lt3A_212, %broadcast_in_dim3A_215, %select_n3A_201 : vector<1024x128xi1>, vector<1024x128xf32>
    %slice3A_217 = vector.extract_strided_slice %dot_general3A_9 {offsets = [0, 1792], sizes = [1024, 128], strides = [1, 1]} : vector<1024x8192xf32> to vector<1024x128xf32>
    %add3A_218 = vector.broadcast %broadcast_in_dim3A : vector<1024x1xf32> to vector<1024x128xf32>
    %add3A_219 = arith.addf %add3A_218, %slice3A_217 : vector<1024x128xf32>
    %slice3A_220 = vector.extract_strided_slice %get3A_13 {offsets = [1792], sizes = [128], strides = [1]} : vector<8192xf32> to vector<128xf32>
    %broadcast_in_dim3A_221 = vector.shape_cast %slice3A_220 : vector<128xf32> to vector<1x128xf32>
    %add3A_222 = vector.broadcast %broadcast_in_dim3A_221 : vector<1x128xf32> to vector<1024x128xf32>
    %add3A_223 = arith.addf %add3A_219, %add3A_222 : vector<1024x128xf32>
    %add3A_224 = arith.constant 1.792000e+03 : f32
    %add3A_225 = vector.broadcast %add3A_224 : f32 to vector<1x128xf32>
    %add3A_226 = arith.addf %convert_element_type3A_5, %add3A_225 : vector<1x128xf32>
    %lt3A_227 = arith.cmpf olt, %add3A_223, %select_n3A_213 : vector<1024x128xf32>
    %select_n3A_228 = arith.select %lt3A_227, %add3A_223, %select_n3A_213 : vector<1024x128xi1>, vector<1024x128xf32>
    %broadcast_in_dim3A_229 = vector.shape_cast %add3A_226 : vector<1x128xf32> to vector<1x128xf32>
    %broadcast_in_dim3A_230 = vector.broadcast %broadcast_in_dim3A_229 : vector<1x128xf32> to vector<1024x128xf32>
    %select_n3A_231 = arith.select %lt3A_227, %broadcast_in_dim3A_230, %select_n3A_216 : vector<1024x128xi1>, vector<1024x128xf32>
    %slice3A_232 = vector.extract_strided_slice %dot_general3A_9 {offsets = [0, 1920], sizes = [1024, 128], strides = [1, 1]} : vector<1024x8192xf32> to vector<1024x128xf32>
    %add3A_233 = vector.broadcast %broadcast_in_dim3A : vector<1024x1xf32> to vector<1024x128xf32>
    %add3A_234 = arith.addf %add3A_233, %slice3A_232 : vector<1024x128xf32>
    %slice3A_235 = vector.extract_strided_slice %get3A_13 {offsets = [1920], sizes = [128], strides = [1]} : vector<8192xf32> to vector<128xf32>
    %broadcast_in_dim3A_236 = vector.shape_cast %slice3A_235 : vector<128xf32> to vector<1x128xf32>
    %add3A_237 = vector.broadcast %broadcast_in_dim3A_236 : vector<1x128xf32> to vector<1024x128xf32>
    %add3A_238 = arith.addf %add3A_234, %add3A_237 : vector<1024x128xf32>
    %add3A_239 = arith.constant 1.920000e+03 : f32
    %add3A_240 = vector.broadcast %add3A_239 : f32 to vector<1x128xf32>
    %add3A_241 = arith.addf %convert_element_type3A_5, %add3A_240 : vector<1x128xf32>
    %lt3A_242 = arith.cmpf olt, %add3A_238, %select_n3A_228 : vector<1024x128xf32>
    %select_n3A_243 = arith.select %lt3A_242, %add3A_238, %select_n3A_228 : vector<1024x128xi1>, vector<1024x128xf32>
    %broadcast_in_dim3A_244 = vector.shape_cast %add3A_241 : vector<1x128xf32> to vector<1x128xf32>
    %broadcast_in_dim3A_245 = vector.broadcast %broadcast_in_dim3A_244 : vector<1x128xf32> to vector<1024x128xf32>
    %select_n3A_246 = arith.select %lt3A_242, %broadcast_in_dim3A_245, %select_n3A_231 : vector<1024x128xi1>, vector<1024x128xf32>
    %slice3A_247 = vector.extract_strided_slice %dot_general3A_9 {offsets = [0, 2048], sizes = [1024, 128], strides = [1, 1]} : vector<1024x8192xf32> to vector<1024x128xf32>
    %add3A_248 = vector.broadcast %broadcast_in_dim3A : vector<1024x1xf32> to vector<1024x128xf32>
    %add3A_249 = arith.addf %add3A_248, %slice3A_247 : vector<1024x128xf32>
    %slice3A_250 = vector.extract_strided_slice %get3A_13 {offsets = [2048], sizes = [128], strides = [1]} : vector<8192xf32> to vector<128xf32>
    %broadcast_in_dim3A_251 = vector.shape_cast %slice3A_250 : vector<128xf32> to vector<1x128xf32>
    %add3A_252 = vector.broadcast %broadcast_in_dim3A_251 : vector<1x128xf32> to vector<1024x128xf32>
    %add3A_253 = arith.addf %add3A_249, %add3A_252 : vector<1024x128xf32>
    %add3A_254 = arith.constant 2.048000e+03 : f32
    %add3A_255 = vector.broadcast %add3A_254 : f32 to vector<1x128xf32>
    %add3A_256 = arith.addf %convert_element_type3A_5, %add3A_255 : vector<1x128xf32>
    %lt3A_257 = arith.cmpf olt, %add3A_253, %select_n3A_243 : vector<1024x128xf32>
    %select_n3A_258 = arith.select %lt3A_257, %add3A_253, %select_n3A_243 : vector<1024x128xi1>, vector<1024x128xf32>
    %broadcast_in_dim3A_259 = vector.shape_cast %add3A_256 : vector<1x128xf32> to vector<1x128xf32>
    %broadcast_in_dim3A_260 = vector.broadcast %broadcast_in_dim3A_259 : vector<1x128xf32> to vector<1024x128xf32>
    %select_n3A_261 = arith.select %lt3A_257, %broadcast_in_dim3A_260, %select_n3A_246 : vector<1024x128xi1>, vector<1024x128xf32>
    %slice3A_262 = vector.extract_strided_slice %dot_general3A_9 {offsets = [0, 2176], sizes = [1024, 128], strides = [1, 1]} : vector<1024x8192xf32> to vector<1024x128xf32>
    %add3A_263 = vector.broadcast %broadcast_in_dim3A : vector<1024x1xf32> to vector<1024x128xf32>
    %add3A_264 = arith.addf %add3A_263, %slice3A_262 : vector<1024x128xf32>
    %slice3A_265 = vector.extract_strided_slice %get3A_13 {offsets = [2176], sizes = [128], strides = [1]} : vector<8192xf32> to vector<128xf32>
    %broadcast_in_dim3A_266 = vector.shape_cast %slice3A_265 : vector<128xf32> to vector<1x128xf32>
    %add3A_267 = vector.broadcast %broadcast_in_dim3A_266 : vector<1x128xf32> to vector<1024x128xf32>
    %add3A_268 = arith.addf %add3A_264, %add3A_267 : vector<1024x128xf32>
    %add3A_269 = arith.constant 2.176000e+03 : f32
    %add3A_270 = vector.broadcast %add3A_269 : f32 to vector<1x128xf32>
    %add3A_271 = arith.addf %convert_element_type3A_5, %add3A_270 : vector<1x128xf32>
    %lt3A_272 = arith.cmpf olt, %add3A_268, %select_n3A_258 : vector<1024x128xf32>
    %select_n3A_273 = arith.select %lt3A_272, %add3A_268, %select_n3A_258 : vector<1024x128xi1>, vector<1024x128xf32>
    %broadcast_in_dim3A_274 = vector.shape_cast %add3A_271 : vector<1x128xf32> to vector<1x128xf32>
    %broadcast_in_dim3A_275 = vector.broadcast %broadcast_in_dim3A_274 : vector<1x128xf32> to vector<1024x128xf32>
    %select_n3A_276 = arith.select %lt3A_272, %broadcast_in_dim3A_275, %select_n3A_261 : vector<1024x128xi1>, vector<1024x128xf32>
    %slice3A_277 = vector.extract_strided_slice %dot_general3A_9 {offsets = [0, 2304], sizes = [1024, 128], strides = [1, 1]} : vector<1024x8192xf32> to vector<1024x128xf32>
    %add3A_278 = vector.broadcast %broadcast_in_dim3A : vector<1024x1xf32> to vector<1024x128xf32>
    %add3A_279 = arith.addf %add3A_278, %slice3A_277 : vector<1024x128xf32>
    %slice3A_280 = vector.extract_strided_slice %get3A_13 {offsets = [2304], sizes = [128], strides = [1]} : vector<8192xf32> to vector<128xf32>
    %broadcast_in_dim3A_281 = vector.shape_cast %slice3A_280 : vector<128xf32> to vector<1x128xf32>
    %add3A_282 = vector.broadcast %broadcast_in_dim3A_281 : vector<1x128xf32> to vector<1024x128xf32>
    %add3A_283 = arith.addf %add3A_279, %add3A_282 : vector<1024x128xf32>
    %add3A_284 = arith.constant 2.304000e+03 : f32
    %add3A_285 = vector.broadcast %add3A_284 : f32 to vector<1x128xf32>
    %add3A_286 = arith.addf %convert_element_type3A_5, %add3A_285 : vector<1x128xf32>
    %lt3A_287 = arith.cmpf olt, %add3A_283, %select_n3A_273 : vector<1024x128xf32>
    %select_n3A_288 = arith.select %lt3A_287, %add3A_283, %select_n3A_273 : vector<1024x128xi1>, vector<1024x128xf32>
    %broadcast_in_dim3A_289 = vector.shape_cast %add3A_286 : vector<1x128xf32> to vector<1x128xf32>
    %broadcast_in_dim3A_290 = vector.broadcast %broadcast_in_dim3A_289 : vector<1x128xf32> to vector<1024x128xf32>
    %select_n3A_291 = arith.select %lt3A_287, %broadcast_in_dim3A_290, %select_n3A_276 : vector<1024x128xi1>, vector<1024x128xf32>
    %slice3A_292 = vector.extract_strided_slice %dot_general3A_9 {offsets = [0, 2432], sizes = [1024, 128], strides = [1, 1]} : vector<1024x8192xf32> to vector<1024x128xf32>
    %add3A_293 = vector.broadcast %broadcast_in_dim3A : vector<1024x1xf32> to vector<1024x128xf32>
    %add3A_294 = arith.addf %add3A_293, %slice3A_292 : vector<1024x128xf32>
    %slice3A_295 = vector.extract_strided_slice %get3A_13 {offsets = [2432], sizes = [128], strides = [1]} : vector<8192xf32> to vector<128xf32>
    %broadcast_in_dim3A_296 = vector.shape_cast %slice3A_295 : vector<128xf32> to vector<1x128xf32>
    %add3A_297 = vector.broadcast %broadcast_in_dim3A_296 : vector<1x128xf32> to vector<1024x128xf32>
    %add3A_298 = arith.addf %add3A_294, %add3A_297 : vector<1024x128xf32>
    %add3A_299 = arith.constant 2.432000e+03 : f32
    %add3A_300 = vector.broadcast %add3A_299 : f32 to vector<1x128xf32>
    %add3A_301 = arith.addf %convert_element_type3A_5, %add3A_300 : vector<1x128xf32>
    %lt3A_302 = arith.cmpf olt, %add3A_298, %select_n3A_288 : vector<1024x128xf32>
    %select_n3A_303 = arith.select %lt3A_302, %add3A_298, %select_n3A_288 : vector<1024x128xi1>, vector<1024x128xf32>
    %broadcast_in_dim3A_304 = vector.shape_cast %add3A_301 : vector<1x128xf32> to vector<1x128xf32>
    %broadcast_in_dim3A_305 = vector.broadcast %broadcast_in_dim3A_304 : vector<1x128xf32> to vector<1024x128xf32>
    %select_n3A_306 = arith.select %lt3A_302, %broadcast_in_dim3A_305, %select_n3A_291 : vector<1024x128xi1>, vector<1024x128xf32>
    %slice3A_307 = vector.extract_strided_slice %dot_general3A_9 {offsets = [0, 2560], sizes = [1024, 128], strides = [1, 1]} : vector<1024x8192xf32> to vector<1024x128xf32>
    %add3A_308 = vector.broadcast %broadcast_in_dim3A : vector<1024x1xf32> to vector<1024x128xf32>
    %add3A_309 = arith.addf %add3A_308, %slice3A_307 : vector<1024x128xf32>
    %slice3A_310 = vector.extract_strided_slice %get3A_13 {offsets = [2560], sizes = [128], strides = [1]} : vector<8192xf32> to vector<128xf32>
    %broadcast_in_dim3A_311 = vector.shape_cast %slice3A_310 : vector<128xf32> to vector<1x128xf32>
    %add3A_312 = vector.broadcast %broadcast_in_dim3A_311 : vector<1x128xf32> to vector<1024x128xf32>
    %add3A_313 = arith.addf %add3A_309, %add3A_312 : vector<1024x128xf32>
    %add3A_314 = arith.constant 2.560000e+03 : f32
    %add3A_315 = vector.broadcast %add3A_314 : f32 to vector<1x128xf32>
    %add3A_316 = arith.addf %convert_element_type3A_5, %add3A_315 : vector<1x128xf32>
    %lt3A_317 = arith.cmpf olt, %add3A_313, %select_n3A_303 : vector<1024x128xf32>
    %select_n3A_318 = arith.select %lt3A_317, %add3A_313, %select_n3A_303 : vector<1024x128xi1>, vector<1024x128xf32>
    %broadcast_in_dim3A_319 = vector.shape_cast %add3A_316 : vector<1x128xf32> to vector<1x128xf32>
    %broadcast_in_dim3A_320 = vector.broadcast %broadcast_in_dim3A_319 : vector<1x128xf32> to vector<1024x128xf32>
    %select_n3A_321 = arith.select %lt3A_317, %broadcast_in_dim3A_320, %select_n3A_306 : vector<1024x128xi1>, vector<1024x128xf32>
    %slice3A_322 = vector.extract_strided_slice %dot_general3A_9 {offsets = [0, 2688], sizes = [1024, 128], strides = [1, 1]} : vector<1024x8192xf32> to vector<1024x128xf32>
    %add3A_323 = vector.broadcast %broadcast_in_dim3A : vector<1024x1xf32> to vector<1024x128xf32>
    %add3A_324 = arith.addf %add3A_323, %slice3A_322 : vector<1024x128xf32>
    %slice3A_325 = vector.extract_strided_slice %get3A_13 {offsets = [2688], sizes = [128], strides = [1]} : vector<8192xf32> to vector<128xf32>
    %broadcast_in_dim3A_326 = vector.shape_cast %slice3A_325 : vector<128xf32> to vector<1x128xf32>
    %add3A_327 = vector.broadcast %broadcast_in_dim3A_326 : vector<1x128xf32> to vector<1024x128xf32>
    %add3A_328 = arith.addf %add3A_324, %add3A_327 : vector<1024x128xf32>
    %add3A_329 = arith.constant 2.688000e+03 : f32
    %add3A_330 = vector.broadcast %add3A_329 : f32 to vector<1x128xf32>
    %add3A_331 = arith.addf %convert_element_type3A_5, %add3A_330 : vector<1x128xf32>
    %lt3A_332 = arith.cmpf olt, %add3A_328, %select_n3A_318 : vector<1024x128xf32>
    %select_n3A_333 = arith.select %lt3A_332, %add3A_328, %select_n3A_318 : vector<1024x128xi1>, vector<1024x128xf32>
    %broadcast_in_dim3A_334 = vector.shape_cast %add3A_331 : vector<1x128xf32> to vector<1x128xf32>
    %broadcast_in_dim3A_335 = vector.broadcast %broadcast_in_dim3A_334 : vector<1x128xf32> to vector<1024x128xf32>
    %select_n3A_336 = arith.select %lt3A_332, %broadcast_in_dim3A_335, %select_n3A_321 : vector<1024x128xi1>, vector<1024x128xf32>
    %slice3A_337 = vector.extract_strided_slice %dot_general3A_9 {offsets = [0, 2816], sizes = [1024, 128], strides = [1, 1]} : vector<1024x8192xf32> to vector<1024x128xf32>
    %add3A_338 = vector.broadcast %broadcast_in_dim3A : vector<1024x1xf32> to vector<1024x128xf32>
    %add3A_339 = arith.addf %add3A_338, %slice3A_337 : vector<1024x128xf32>
    %slice3A_340 = vector.extract_strided_slice %get3A_13 {offsets = [2816], sizes = [128], strides = [1]} : vector<8192xf32> to vector<128xf32>
    %broadcast_in_dim3A_341 = vector.shape_cast %slice3A_340 : vector<128xf32> to vector<1x128xf32>
    %add3A_342 = vector.broadcast %broadcast_in_dim3A_341 : vector<1x128xf32> to vector<1024x128xf32>
    %add3A_343 = arith.addf %add3A_339, %add3A_342 : vector<1024x128xf32>
    %add3A_344 = arith.constant 2.816000e+03 : f32
    %add3A_345 = vector.broadcast %add3A_344 : f32 to vector<1x128xf32>
    %add3A_346 = arith.addf %convert_element_type3A_5, %add3A_345 : vector<1x128xf32>
    %lt3A_347 = arith.cmpf olt, %add3A_343, %select_n3A_333 : vector<1024x128xf32>
    %select_n3A_348 = arith.select %lt3A_347, %add3A_343, %select_n3A_333 : vector<1024x128xi1>, vector<1024x128xf32>
    %broadcast_in_dim3A_349 = vector.shape_cast %add3A_346 : vector<1x128xf32> to vector<1x128xf32>
    %broadcast_in_dim3A_350 = vector.broadcast %broadcast_in_dim3A_349 : vector<1x128xf32> to vector<1024x128xf32>
    %select_n3A_351 = arith.select %lt3A_347, %broadcast_in_dim3A_350, %select_n3A_336 : vector<1024x128xi1>, vector<1024x128xf32>
    %slice3A_352 = vector.extract_strided_slice %dot_general3A_9 {offsets = [0, 2944], sizes = [1024, 128], strides = [1, 1]} : vector<1024x8192xf32> to vector<1024x128xf32>
    %add3A_353 = vector.broadcast %broadcast_in_dim3A : vector<1024x1xf32> to vector<1024x128xf32>
    %add3A_354 = arith.addf %add3A_353, %slice3A_352 : vector<1024x128xf32>
    %slice3A_355 = vector.extract_strided_slice %get3A_13 {offsets = [2944], sizes = [128], strides = [1]} : vector<8192xf32> to vector<128xf32>
    %broadcast_in_dim3A_356 = vector.shape_cast %slice3A_355 : vector<128xf32> to vector<1x128xf32>
    %add3A_357 = vector.broadcast %broadcast_in_dim3A_356 : vector<1x128xf32> to vector<1024x128xf32>
    %add3A_358 = arith.addf %add3A_354, %add3A_357 : vector<1024x128xf32>
    %add3A_359 = arith.constant 2.944000e+03 : f32
    %add3A_360 = vector.broadcast %add3A_359 : f32 to vector<1x128xf32>
    %add3A_361 = arith.addf %convert_element_type3A_5, %add3A_360 : vector<1x128xf32>
    %lt3A_362 = arith.cmpf olt, %add3A_358, %select_n3A_348 : vector<1024x128xf32>
    %select_n3A_363 = arith.select %lt3A_362, %add3A_358, %select_n3A_348 : vector<1024x128xi1>, vector<1024x128xf32>
    %broadcast_in_dim3A_364 = vector.shape_cast %add3A_361 : vector<1x128xf32> to vector<1x128xf32>
    %broadcast_in_dim3A_365 = vector.broadcast %broadcast_in_dim3A_364 : vector<1x128xf32> to vector<1024x128xf32>
    %select_n3A_366 = arith.select %lt3A_362, %broadcast_in_dim3A_365, %select_n3A_351 : vector<1024x128xi1>, vector<1024x128xf32>
    %slice3A_367 = vector.extract_strided_slice %dot_general3A_9 {offsets = [0, 3072], sizes = [1024, 128], strides = [1, 1]} : vector<1024x8192xf32> to vector<1024x128xf32>
    %add3A_368 = vector.broadcast %broadcast_in_dim3A : vector<1024x1xf32> to vector<1024x128xf32>
    %add3A_369 = arith.addf %add3A_368, %slice3A_367 : vector<1024x128xf32>
    %slice3A_370 = vector.extract_strided_slice %get3A_13 {offsets = [3072], sizes = [128], strides = [1]} : vector<8192xf32> to vector<128xf32>
    %broadcast_in_dim3A_371 = vector.shape_cast %slice3A_370 : vector<128xf32> to vector<1x128xf32>
    %add3A_372 = vector.broadcast %broadcast_in_dim3A_371 : vector<1x128xf32> to vector<1024x128xf32>
    %add3A_373 = arith.addf %add3A_369, %add3A_372 : vector<1024x128xf32>
    %add3A_374 = arith.constant 3.072000e+03 : f32
    %add3A_375 = vector.broadcast %add3A_374 : f32 to vector<1x128xf32>
    %add3A_376 = arith.addf %convert_element_type3A_5, %add3A_375 : vector<1x128xf32>
    %lt3A_377 = arith.cmpf olt, %add3A_373, %select_n3A_363 : vector<1024x128xf32>
    %select_n3A_378 = arith.select %lt3A_377, %add3A_373, %select_n3A_363 : vector<1024x128xi1>, vector<1024x128xf32>
    %broadcast_in_dim3A_379 = vector.shape_cast %add3A_376 : vector<1x128xf32> to vector<1x128xf32>
    %broadcast_in_dim3A_380 = vector.broadcast %broadcast_in_dim3A_379 : vector<1x128xf32> to vector<1024x128xf32>
    %select_n3A_381 = arith.select %lt3A_377, %broadcast_in_dim3A_380, %select_n3A_366 : vector<1024x128xi1>, vector<1024x128xf32>
    %slice3A_382 = vector.extract_strided_slice %dot_general3A_9 {offsets = [0, 3200], sizes = [1024, 128], strides = [1, 1]} : vector<1024x8192xf32> to vector<1024x128xf32>
    %add3A_383 = vector.broadcast %broadcast_in_dim3A : vector<1024x1xf32> to vector<1024x128xf32>
    %add3A_384 = arith.addf %add3A_383, %slice3A_382 : vector<1024x128xf32>
    %slice3A_385 = vector.extract_strided_slice %get3A_13 {offsets = [3200], sizes = [128], strides = [1]} : vector<8192xf32> to vector<128xf32>
    %broadcast_in_dim3A_386 = vector.shape_cast %slice3A_385 : vector<128xf32> to vector<1x128xf32>
    %add3A_387 = vector.broadcast %broadcast_in_dim3A_386 : vector<1x128xf32> to vector<1024x128xf32>
    %add3A_388 = arith.addf %add3A_384, %add3A_387 : vector<1024x128xf32>
    %add3A_389 = arith.constant 3.200000e+03 : f32
    %add3A_390 = vector.broadcast %add3A_389 : f32 to vector<1x128xf32>
    %add3A_391 = arith.addf %convert_element_type3A_5, %add3A_390 : vector<1x128xf32>
    %lt3A_392 = arith.cmpf olt, %add3A_388, %select_n3A_378 : vector<1024x128xf32>
    %select_n3A_393 = arith.select %lt3A_392, %add3A_388, %select_n3A_378 : vector<1024x128xi1>, vector<1024x128xf32>
    %broadcast_in_dim3A_394 = vector.shape_cast %add3A_391 : vector<1x128xf32> to vector<1x128xf32>
    %broadcast_in_dim3A_395 = vector.broadcast %broadcast_in_dim3A_394 : vector<1x128xf32> to vector<1024x128xf32>
    %select_n3A_396 = arith.select %lt3A_392, %broadcast_in_dim3A_395, %select_n3A_381 : vector<1024x128xi1>, vector<1024x128xf32>
    %slice3A_397 = vector.extract_strided_slice %dot_general3A_9 {offsets = [0, 3328], sizes = [1024, 128], strides = [1, 1]} : vector<1024x8192xf32> to vector<1024x128xf32>
    %add3A_398 = vector.broadcast %broadcast_in_dim3A : vector<1024x1xf32> to vector<1024x128xf32>
    %add3A_399 = arith.addf %add3A_398, %slice3A_397 : vector<1024x128xf32>
    %slice3A_400 = vector.extract_strided_slice %get3A_13 {offsets = [3328], sizes = [128], strides = [1]} : vector<8192xf32> to vector<128xf32>
    %broadcast_in_dim3A_401 = vector.shape_cast %slice3A_400 : vector<128xf32> to vector<1x128xf32>
    %add3A_402 = vector.broadcast %broadcast_in_dim3A_401 : vector<1x128xf32> to vector<1024x128xf32>
    %add3A_403 = arith.addf %add3A_399, %add3A_402 : vector<1024x128xf32>
    %add3A_404 = arith.constant 3.328000e+03 : f32
    %add3A_405 = vector.broadcast %add3A_404 : f32 to vector<1x128xf32>
    %add3A_406 = arith.addf %convert_element_type3A_5, %add3A_405 : vector<1x128xf32>
    %lt3A_407 = arith.cmpf olt, %add3A_403, %select_n3A_393 : vector<1024x128xf32>
    %select_n3A_408 = arith.select %lt3A_407, %add3A_403, %select_n3A_393 : vector<1024x128xi1>, vector<1024x128xf32>
    %broadcast_in_dim3A_409 = vector.shape_cast %add3A_406 : vector<1x128xf32> to vector<1x128xf32>
    %broadcast_in_dim3A_410 = vector.broadcast %broadcast_in_dim3A_409 : vector<1x128xf32> to vector<1024x128xf32>
    %select_n3A_411 = arith.select %lt3A_407, %broadcast_in_dim3A_410, %select_n3A_396 : vector<1024x128xi1>, vector<1024x128xf32>
    %slice3A_412 = vector.extract_strided_slice %dot_general3A_9 {offsets = [0, 3456], sizes = [1024, 128], strides = [1, 1]} : vector<1024x8192xf32> to vector<1024x128xf32>
    %add3A_413 = vector.broadcast %broadcast_in_dim3A : vector<1024x1xf32> to vector<1024x128xf32>
    %add3A_414 = arith.addf %add3A_413, %slice3A_412 : vector<1024x128xf32>
    %slice3A_415 = vector.extract_strided_slice %get3A_13 {offsets = [3456], sizes = [128], strides = [1]} : vector<8192xf32> to vector<128xf32>
    %broadcast_in_dim3A_416 = vector.shape_cast %slice3A_415 : vector<128xf32> to vector<1x128xf32>
    %add3A_417 = vector.broadcast %broadcast_in_dim3A_416 : vector<1x128xf32> to vector<1024x128xf32>
    %add3A_418 = arith.addf %add3A_414, %add3A_417 : vector<1024x128xf32>
    %add3A_419 = arith.constant 3.456000e+03 : f32
    %add3A_420 = vector.broadcast %add3A_419 : f32 to vector<1x128xf32>
    %add3A_421 = arith.addf %convert_element_type3A_5, %add3A_420 : vector<1x128xf32>
    %lt3A_422 = arith.cmpf olt, %add3A_418, %select_n3A_408 : vector<1024x128xf32>
    %select_n3A_423 = arith.select %lt3A_422, %add3A_418, %select_n3A_408 : vector<1024x128xi1>, vector<1024x128xf32>
    %broadcast_in_dim3A_424 = vector.shape_cast %add3A_421 : vector<1x128xf32> to vector<1x128xf32>
    %broadcast_in_dim3A_425 = vector.broadcast %broadcast_in_dim3A_424 : vector<1x128xf32> to vector<1024x128xf32>
    %select_n3A_426 = arith.select %lt3A_422, %broadcast_in_dim3A_425, %select_n3A_411 : vector<1024x128xi1>, vector<1024x128xf32>
    %slice3A_427 = vector.extract_strided_slice %dot_general3A_9 {offsets = [0, 3584], sizes = [1024, 128], strides = [1, 1]} : vector<1024x8192xf32> to vector<1024x128xf32>
    %add3A_428 = vector.broadcast %broadcast_in_dim3A : vector<1024x1xf32> to vector<1024x128xf32>
    %add3A_429 = arith.addf %add3A_428, %slice3A_427 : vector<1024x128xf32>
    %slice3A_430 = vector.extract_strided_slice %get3A_13 {offsets = [3584], sizes = [128], strides = [1]} : vector<8192xf32> to vector<128xf32>
    %broadcast_in_dim3A_431 = vector.shape_cast %slice3A_430 : vector<128xf32> to vector<1x128xf32>
    %add3A_432 = vector.broadcast %broadcast_in_dim3A_431 : vector<1x128xf32> to vector<1024x128xf32>
    %add3A_433 = arith.addf %add3A_429, %add3A_432 : vector<1024x128xf32>
    %add3A_434 = arith.constant 3.584000e+03 : f32
    %add3A_435 = vector.broadcast %add3A_434 : f32 to vector<1x128xf32>
    %add3A_436 = arith.addf %convert_element_type3A_5, %add3A_435 : vector<1x128xf32>
    %lt3A_437 = arith.cmpf olt, %add3A_433, %select_n3A_423 : vector<1024x128xf32>
    %select_n3A_438 = arith.select %lt3A_437, %add3A_433, %select_n3A_423 : vector<1024x128xi1>, vector<1024x128xf32>
    %broadcast_in_dim3A_439 = vector.shape_cast %add3A_436 : vector<1x128xf32> to vector<1x128xf32>
    %broadcast_in_dim3A_440 = vector.broadcast %broadcast_in_dim3A_439 : vector<1x128xf32> to vector<1024x128xf32>
    %select_n3A_441 = arith.select %lt3A_437, %broadcast_in_dim3A_440, %select_n3A_426 : vector<1024x128xi1>, vector<1024x128xf32>
    %slice3A_442 = vector.extract_strided_slice %dot_general3A_9 {offsets = [0, 3712], sizes = [1024, 128], strides = [1, 1]} : vector<1024x8192xf32> to vector<1024x128xf32>
    %add3A_443 = vector.broadcast %broadcast_in_dim3A : vector<1024x1xf32> to vector<1024x128xf32>
    %add3A_444 = arith.addf %add3A_443, %slice3A_442 : vector<1024x128xf32>
    %slice3A_445 = vector.extract_strided_slice %get3A_13 {offsets = [3712], sizes = [128], strides = [1]} : vector<8192xf32> to vector<128xf32>
    %broadcast_in_dim3A_446 = vector.shape_cast %slice3A_445 : vector<128xf32> to vector<1x128xf32>
    %add3A_447 = vector.broadcast %broadcast_in_dim3A_446 : vector<1x128xf32> to vector<1024x128xf32>
    %add3A_448 = arith.addf %add3A_444, %add3A_447 : vector<1024x128xf32>
    %add3A_449 = arith.constant 3.712000e+03 : f32
    %add3A_450 = vector.broadcast %add3A_449 : f32 to vector<1x128xf32>
    %add3A_451 = arith.addf %convert_element_type3A_5, %add3A_450 : vector<1x128xf32>
    %lt3A_452 = arith.cmpf olt, %add3A_448, %select_n3A_438 : vector<1024x128xf32>
    %select_n3A_453 = arith.select %lt3A_452, %add3A_448, %select_n3A_438 : vector<1024x128xi1>, vector<1024x128xf32>
    %broadcast_in_dim3A_454 = vector.shape_cast %add3A_451 : vector<1x128xf32> to vector<1x128xf32>
    %broadcast_in_dim3A_455 = vector.broadcast %broadcast_in_dim3A_454 : vector<1x128xf32> to vector<1024x128xf32>
    %select_n3A_456 = arith.select %lt3A_452, %broadcast_in_dim3A_455, %select_n3A_441 : vector<1024x128xi1>, vector<1024x128xf32>
    %slice3A_457 = vector.extract_strided_slice %dot_general3A_9 {offsets = [0, 3840], sizes = [1024, 128], strides = [1, 1]} : vector<1024x8192xf32> to vector<1024x128xf32>
    %add3A_458 = vector.broadcast %broadcast_in_dim3A : vector<1024x1xf32> to vector<1024x128xf32>
    %add3A_459 = arith.addf %add3A_458, %slice3A_457 : vector<1024x128xf32>
    %slice3A_460 = vector.extract_strided_slice %get3A_13 {offsets = [3840], sizes = [128], strides = [1]} : vector<8192xf32> to vector<128xf32>
    %broadcast_in_dim3A_461 = vector.shape_cast %slice3A_460 : vector<128xf32> to vector<1x128xf32>
    %add3A_462 = vector.broadcast %broadcast_in_dim3A_461 : vector<1x128xf32> to vector<1024x128xf32>
    %add3A_463 = arith.addf %add3A_459, %add3A_462 : vector<1024x128xf32>
    %add3A_464 = arith.constant 3.840000e+03 : f32
    %add3A_465 = vector.broadcast %add3A_464 : f32 to vector<1x128xf32>
    %add3A_466 = arith.addf %convert_element_type3A_5, %add3A_465 : vector<1x128xf32>
    %lt3A_467 = arith.cmpf olt, %add3A_463, %select_n3A_453 : vector<1024x128xf32>
    %select_n3A_468 = arith.select %lt3A_467, %add3A_463, %select_n3A_453 : vector<1024x128xi1>, vector<1024x128xf32>
    %broadcast_in_dim3A_469 = vector.shape_cast %add3A_466 : vector<1x128xf32> to vector<1x128xf32>
    %broadcast_in_dim3A_470 = vector.broadcast %broadcast_in_dim3A_469 : vector<1x128xf32> to vector<1024x128xf32>
    %select_n3A_471 = arith.select %lt3A_467, %broadcast_in_dim3A_470, %select_n3A_456 : vector<1024x128xi1>, vector<1024x128xf32>
    %slice3A_472 = vector.extract_strided_slice %dot_general3A_9 {offsets = [0, 3968], sizes = [1024, 128], strides = [1, 1]} : vector<1024x8192xf32> to vector<1024x128xf32>
    %add3A_473 = vector.broadcast %broadcast_in_dim3A : vector<1024x1xf32> to vector<1024x128xf32>
    %add3A_474 = arith.addf %add3A_473, %slice3A_472 : vector<1024x128xf32>
    %slice3A_475 = vector.extract_strided_slice %get3A_13 {offsets = [3968], sizes = [128], strides = [1]} : vector<8192xf32> to vector<128xf32>
    %broadcast_in_dim3A_476 = vector.shape_cast %slice3A_475 : vector<128xf32> to vector<1x128xf32>
    %add3A_477 = vector.broadcast %broadcast_in_dim3A_476 : vector<1x128xf32> to vector<1024x128xf32>
    %add3A_478 = arith.addf %add3A_474, %add3A_477 : vector<1024x128xf32>
    %add3A_479 = arith.constant 3.968000e+03 : f32
    %add3A_480 = vector.broadcast %add3A_479 : f32 to vector<1x128xf32>
    %add3A_481 = arith.addf %convert_element_type3A_5, %add3A_480 : vector<1x128xf32>
    %lt3A_482 = arith.cmpf olt, %add3A_478, %select_n3A_468 : vector<1024x128xf32>
    %select_n3A_483 = arith.select %lt3A_482, %add3A_478, %select_n3A_468 : vector<1024x128xi1>, vector<1024x128xf32>
    %broadcast_in_dim3A_484 = vector.shape_cast %add3A_481 : vector<1x128xf32> to vector<1x128xf32>
    %broadcast_in_dim3A_485 = vector.broadcast %broadcast_in_dim3A_484 : vector<1x128xf32> to vector<1024x128xf32>
    %select_n3A_486 = arith.select %lt3A_482, %broadcast_in_dim3A_485, %select_n3A_471 : vector<1024x128xi1>, vector<1024x128xf32>
    %slice3A_487 = vector.extract_strided_slice %dot_general3A_9 {offsets = [0, 4096], sizes = [1024, 128], strides = [1, 1]} : vector<1024x8192xf32> to vector<1024x128xf32>
    %add3A_488 = vector.broadcast %broadcast_in_dim3A : vector<1024x1xf32> to vector<1024x128xf32>
    %add3A_489 = arith.addf %add3A_488, %slice3A_487 : vector<1024x128xf32>
    %slice3A_490 = vector.extract_strided_slice %get3A_13 {offsets = [4096], sizes = [128], strides = [1]} : vector<8192xf32> to vector<128xf32>
    %broadcast_in_dim3A_491 = vector.shape_cast %slice3A_490 : vector<128xf32> to vector<1x128xf32>
    %add3A_492 = vector.broadcast %broadcast_in_dim3A_491 : vector<1x128xf32> to vector<1024x128xf32>
    %add3A_493 = arith.addf %add3A_489, %add3A_492 : vector<1024x128xf32>
    %add3A_494 = arith.constant 4.096000e+03 : f32
    %add3A_495 = vector.broadcast %add3A_494 : f32 to vector<1x128xf32>
    %add3A_496 = arith.addf %convert_element_type3A_5, %add3A_495 : vector<1x128xf32>
    %lt3A_497 = arith.cmpf olt, %add3A_493, %select_n3A_483 : vector<1024x128xf32>
    %select_n3A_498 = arith.select %lt3A_497, %add3A_493, %select_n3A_483 : vector<1024x128xi1>, vector<1024x128xf32>
    %broadcast_in_dim3A_499 = vector.shape_cast %add3A_496 : vector<1x128xf32> to vector<1x128xf32>
    %broadcast_in_dim3A_500 = vector.broadcast %broadcast_in_dim3A_499 : vector<1x128xf32> to vector<1024x128xf32>
    %select_n3A_501 = arith.select %lt3A_497, %broadcast_in_dim3A_500, %select_n3A_486 : vector<1024x128xi1>, vector<1024x128xf32>
    %slice3A_502 = vector.extract_strided_slice %dot_general3A_9 {offsets = [0, 4224], sizes = [1024, 128], strides = [1, 1]} : vector<1024x8192xf32> to vector<1024x128xf32>
    %add3A_503 = vector.broadcast %broadcast_in_dim3A : vector<1024x1xf32> to vector<1024x128xf32>
    %add3A_504 = arith.addf %add3A_503, %slice3A_502 : vector<1024x128xf32>
    %slice3A_505 = vector.extract_strided_slice %get3A_13 {offsets = [4224], sizes = [128], strides = [1]} : vector<8192xf32> to vector<128xf32>
    %broadcast_in_dim3A_506 = vector.shape_cast %slice3A_505 : vector<128xf32> to vector<1x128xf32>
    %add3A_507 = vector.broadcast %broadcast_in_dim3A_506 : vector<1x128xf32> to vector<1024x128xf32>
    %add3A_508 = arith.addf %add3A_504, %add3A_507 : vector<1024x128xf32>
    %add3A_509 = arith.constant 4.224000e+03 : f32
    %add3A_510 = vector.broadcast %add3A_509 : f32 to vector<1x128xf32>
    %add3A_511 = arith.addf %convert_element_type3A_5, %add3A_510 : vector<1x128xf32>
    %lt3A_512 = arith.cmpf olt, %add3A_508, %select_n3A_498 : vector<1024x128xf32>
    %select_n3A_513 = arith.select %lt3A_512, %add3A_508, %select_n3A_498 : vector<1024x128xi1>, vector<1024x128xf32>
    %broadcast_in_dim3A_514 = vector.shape_cast %add3A_511 : vector<1x128xf32> to vector<1x128xf32>
    %broadcast_in_dim3A_515 = vector.broadcast %broadcast_in_dim3A_514 : vector<1x128xf32> to vector<1024x128xf32>
    %select_n3A_516 = arith.select %lt3A_512, %broadcast_in_dim3A_515, %select_n3A_501 : vector<1024x128xi1>, vector<1024x128xf32>
    %slice3A_517 = vector.extract_strided_slice %dot_general3A_9 {offsets = [0, 4352], sizes = [1024, 128], strides = [1, 1]} : vector<1024x8192xf32> to vector<1024x128xf32>
    %add3A_518 = vector.broadcast %broadcast_in_dim3A : vector<1024x1xf32> to vector<1024x128xf32>
    %add3A_519 = arith.addf %add3A_518, %slice3A_517 : vector<1024x128xf32>
    %slice3A_520 = vector.extract_strided_slice %get3A_13 {offsets = [4352], sizes = [128], strides = [1]} : vector<8192xf32> to vector<128xf32>
    %broadcast_in_dim3A_521 = vector.shape_cast %slice3A_520 : vector<128xf32> to vector<1x128xf32>
    %add3A_522 = vector.broadcast %broadcast_in_dim3A_521 : vector<1x128xf32> to vector<1024x128xf32>
    %add3A_523 = arith.addf %add3A_519, %add3A_522 : vector<1024x128xf32>
    %add3A_524 = arith.constant 4.352000e+03 : f32
    %add3A_525 = vector.broadcast %add3A_524 : f32 to vector<1x128xf32>
    %add3A_526 = arith.addf %convert_element_type3A_5, %add3A_525 : vector<1x128xf32>
    %lt3A_527 = arith.cmpf olt, %add3A_523, %select_n3A_513 : vector<1024x128xf32>
    %select_n3A_528 = arith.select %lt3A_527, %add3A_523, %select_n3A_513 : vector<1024x128xi1>, vector<1024x128xf32>
    %broadcast_in_dim3A_529 = vector.shape_cast %add3A_526 : vector<1x128xf32> to vector<1x128xf32>
    %broadcast_in_dim3A_530 = vector.broadcast %broadcast_in_dim3A_529 : vector<1x128xf32> to vector<1024x128xf32>
    %select_n3A_531 = arith.select %lt3A_527, %broadcast_in_dim3A_530, %select_n3A_516 : vector<1024x128xi1>, vector<1024x128xf32>
    %slice3A_532 = vector.extract_strided_slice %dot_general3A_9 {offsets = [0, 4480], sizes = [1024, 128], strides = [1, 1]} : vector<1024x8192xf32> to vector<1024x128xf32>
    %add3A_533 = vector.broadcast %broadcast_in_dim3A : vector<1024x1xf32> to vector<1024x128xf32>
    %add3A_534 = arith.addf %add3A_533, %slice3A_532 : vector<1024x128xf32>
    %slice3A_535 = vector.extract_strided_slice %get3A_13 {offsets = [4480], sizes = [128], strides = [1]} : vector<8192xf32> to vector<128xf32>
    %broadcast_in_dim3A_536 = vector.shape_cast %slice3A_535 : vector<128xf32> to vector<1x128xf32>
    %add3A_537 = vector.broadcast %broadcast_in_dim3A_536 : vector<1x128xf32> to vector<1024x128xf32>
    %add3A_538 = arith.addf %add3A_534, %add3A_537 : vector<1024x128xf32>
    %add3A_539 = arith.constant 4.480000e+03 : f32
    %add3A_540 = vector.broadcast %add3A_539 : f32 to vector<1x128xf32>
    %add3A_541 = arith.addf %convert_element_type3A_5, %add3A_540 : vector<1x128xf32>
    %lt3A_542 = arith.cmpf olt, %add3A_538, %select_n3A_528 : vector<1024x128xf32>
    %select_n3A_543 = arith.select %lt3A_542, %add3A_538, %select_n3A_528 : vector<1024x128xi1>, vector<1024x128xf32>
    %broadcast_in_dim3A_544 = vector.shape_cast %add3A_541 : vector<1x128xf32> to vector<1x128xf32>
    %broadcast_in_dim3A_545 = vector.broadcast %broadcast_in_dim3A_544 : vector<1x128xf32> to vector<1024x128xf32>
    %select_n3A_546 = arith.select %lt3A_542, %broadcast_in_dim3A_545, %select_n3A_531 : vector<1024x128xi1>, vector<1024x128xf32>
    %slice3A_547 = vector.extract_strided_slice %dot_general3A_9 {offsets = [0, 4608], sizes = [1024, 128], strides = [1, 1]} : vector<1024x8192xf32> to vector<1024x128xf32>
    %add3A_548 = vector.broadcast %broadcast_in_dim3A : vector<1024x1xf32> to vector<1024x128xf32>
    %add3A_549 = arith.addf %add3A_548, %slice3A_547 : vector<1024x128xf32>
    %slice3A_550 = vector.extract_strided_slice %get3A_13 {offsets = [4608], sizes = [128], strides = [1]} : vector<8192xf32> to vector<128xf32>
    %broadcast_in_dim3A_551 = vector.shape_cast %slice3A_550 : vector<128xf32> to vector<1x128xf32>
    %add3A_552 = vector.broadcast %broadcast_in_dim3A_551 : vector<1x128xf32> to vector<1024x128xf32>
    %add3A_553 = arith.addf %add3A_549, %add3A_552 : vector<1024x128xf32>
    %add3A_554 = arith.constant 4.608000e+03 : f32
    %add3A_555 = vector.broadcast %add3A_554 : f32 to vector<1x128xf32>
    %add3A_556 = arith.addf %convert_element_type3A_5, %add3A_555 : vector<1x128xf32>
    %lt3A_557 = arith.cmpf olt, %add3A_553, %select_n3A_543 : vector<1024x128xf32>
    %select_n3A_558 = arith.select %lt3A_557, %add3A_553, %select_n3A_543 : vector<1024x128xi1>, vector<1024x128xf32>
    %broadcast_in_dim3A_559 = vector.shape_cast %add3A_556 : vector<1x128xf32> to vector<1x128xf32>
    %broadcast_in_dim3A_560 = vector.broadcast %broadcast_in_dim3A_559 : vector<1x128xf32> to vector<1024x128xf32>
    %select_n3A_561 = arith.select %lt3A_557, %broadcast_in_dim3A_560, %select_n3A_546 : vector<1024x128xi1>, vector<1024x128xf32>
    %slice3A_562 = vector.extract_strided_slice %dot_general3A_9 {offsets = [0, 4736], sizes = [1024, 128], strides = [1, 1]} : vector<1024x8192xf32> to vector<1024x128xf32>
    %add3A_563 = vector.broadcast %broadcast_in_dim3A : vector<1024x1xf32> to vector<1024x128xf32>
    %add3A_564 = arith.addf %add3A_563, %slice3A_562 : vector<1024x128xf32>
    %slice3A_565 = vector.extract_strided_slice %get3A_13 {offsets = [4736], sizes = [128], strides = [1]} : vector<8192xf32> to vector<128xf32>
    %broadcast_in_dim3A_566 = vector.shape_cast %slice3A_565 : vector<128xf32> to vector<1x128xf32>
    %add3A_567 = vector.broadcast %broadcast_in_dim3A_566 : vector<1x128xf32> to vector<1024x128xf32>
    %add3A_568 = arith.addf %add3A_564, %add3A_567 : vector<1024x128xf32>
    %add3A_569 = arith.constant 4.736000e+03 : f32
    %add3A_570 = vector.broadcast %add3A_569 : f32 to vector<1x128xf32>
    %add3A_571 = arith.addf %convert_element_type3A_5, %add3A_570 : vector<1x128xf32>
    %lt3A_572 = arith.cmpf olt, %add3A_568, %select_n3A_558 : vector<1024x128xf32>
    %select_n3A_573 = arith.select %lt3A_572, %add3A_568, %select_n3A_558 : vector<1024x128xi1>, vector<1024x128xf32>
    %broadcast_in_dim3A_574 = vector.shape_cast %add3A_571 : vector<1x128xf32> to vector<1x128xf32>
    %broadcast_in_dim3A_575 = vector.broadcast %broadcast_in_dim3A_574 : vector<1x128xf32> to vector<1024x128xf32>
    %select_n3A_576 = arith.select %lt3A_572, %broadcast_in_dim3A_575, %select_n3A_561 : vector<1024x128xi1>, vector<1024x128xf32>
    %slice3A_577 = vector.extract_strided_slice %dot_general3A_9 {offsets = [0, 4864], sizes = [1024, 128], strides = [1, 1]} : vector<1024x8192xf32> to vector<1024x128xf32>
    %add3A_578 = vector.broadcast %broadcast_in_dim3A : vector<1024x1xf32> to vector<1024x128xf32>
    %add3A_579 = arith.addf %add3A_578, %slice3A_577 : vector<1024x128xf32>
    %slice3A_580 = vector.extract_strided_slice %get3A_13 {offsets = [4864], sizes = [128], strides = [1]} : vector<8192xf32> to vector<128xf32>
    %broadcast_in_dim3A_581 = vector.shape_cast %slice3A_580 : vector<128xf32> to vector<1x128xf32>
    %add3A_582 = vector.broadcast %broadcast_in_dim3A_581 : vector<1x128xf32> to vector<1024x128xf32>
    %add3A_583 = arith.addf %add3A_579, %add3A_582 : vector<1024x128xf32>
    %add3A_584 = arith.constant 4.864000e+03 : f32
    %add3A_585 = vector.broadcast %add3A_584 : f32 to vector<1x128xf32>
    %add3A_586 = arith.addf %convert_element_type3A_5, %add3A_585 : vector<1x128xf32>
    %lt3A_587 = arith.cmpf olt, %add3A_583, %select_n3A_573 : vector<1024x128xf32>
    %select_n3A_588 = arith.select %lt3A_587, %add3A_583, %select_n3A_573 : vector<1024x128xi1>, vector<1024x128xf32>
    %broadcast_in_dim3A_589 = vector.shape_cast %add3A_586 : vector<1x128xf32> to vector<1x128xf32>
    %broadcast_in_dim3A_590 = vector.broadcast %broadcast_in_dim3A_589 : vector<1x128xf32> to vector<1024x128xf32>
    %select_n3A_591 = arith.select %lt3A_587, %broadcast_in_dim3A_590, %select_n3A_576 : vector<1024x128xi1>, vector<1024x128xf32>
    %slice3A_592 = vector.extract_strided_slice %dot_general3A_9 {offsets = [0, 4992], sizes = [1024, 128], strides = [1, 1]} : vector<1024x8192xf32> to vector<1024x128xf32>
    %add3A_593 = vector.broadcast %broadcast_in_dim3A : vector<1024x1xf32> to vector<1024x128xf32>
    %add3A_594 = arith.addf %add3A_593, %slice3A_592 : vector<1024x128xf32>
    %slice3A_595 = vector.extract_strided_slice %get3A_13 {offsets = [4992], sizes = [128], strides = [1]} : vector<8192xf32> to vector<128xf32>
    %broadcast_in_dim3A_596 = vector.shape_cast %slice3A_595 : vector<128xf32> to vector<1x128xf32>
    %add3A_597 = vector.broadcast %broadcast_in_dim3A_596 : vector<1x128xf32> to vector<1024x128xf32>
    %add3A_598 = arith.addf %add3A_594, %add3A_597 : vector<1024x128xf32>
    %add3A_599 = arith.constant 4.992000e+03 : f32
    %add3A_600 = vector.broadcast %add3A_599 : f32 to vector<1x128xf32>
    %add3A_601 = arith.addf %convert_element_type3A_5, %add3A_600 : vector<1x128xf32>
    %lt3A_602 = arith.cmpf olt, %add3A_598, %select_n3A_588 : vector<1024x128xf32>
    %select_n3A_603 = arith.select %lt3A_602, %add3A_598, %select_n3A_588 : vector<1024x128xi1>, vector<1024x128xf32>
    %broadcast_in_dim3A_604 = vector.shape_cast %add3A_601 : vector<1x128xf32> to vector<1x128xf32>
    %broadcast_in_dim3A_605 = vector.broadcast %broadcast_in_dim3A_604 : vector<1x128xf32> to vector<1024x128xf32>
    %select_n3A_606 = arith.select %lt3A_602, %broadcast_in_dim3A_605, %select_n3A_591 : vector<1024x128xi1>, vector<1024x128xf32>
    %slice3A_607 = vector.extract_strided_slice %dot_general3A_9 {offsets = [0, 5120], sizes = [1024, 128], strides = [1, 1]} : vector<1024x8192xf32> to vector<1024x128xf32>
    %add3A_608 = vector.broadcast %broadcast_in_dim3A : vector<1024x1xf32> to vector<1024x128xf32>
    %add3A_609 = arith.addf %add3A_608, %slice3A_607 : vector<1024x128xf32>
    %slice3A_610 = vector.extract_strided_slice %get3A_13 {offsets = [5120], sizes = [128], strides = [1]} : vector<8192xf32> to vector<128xf32>
    %broadcast_in_dim3A_611 = vector.shape_cast %slice3A_610 : vector<128xf32> to vector<1x128xf32>
    %add3A_612 = vector.broadcast %broadcast_in_dim3A_611 : vector<1x128xf32> to vector<1024x128xf32>
    %add3A_613 = arith.addf %add3A_609, %add3A_612 : vector<1024x128xf32>
    %add3A_614 = arith.constant 5.120000e+03 : f32
    %add3A_615 = vector.broadcast %add3A_614 : f32 to vector<1x128xf32>
    %add3A_616 = arith.addf %convert_element_type3A_5, %add3A_615 : vector<1x128xf32>
    %lt3A_617 = arith.cmpf olt, %add3A_613, %select_n3A_603 : vector<1024x128xf32>
    %select_n3A_618 = arith.select %lt3A_617, %add3A_613, %select_n3A_603 : vector<1024x128xi1>, vector<1024x128xf32>
    %broadcast_in_dim3A_619 = vector.shape_cast %add3A_616 : vector<1x128xf32> to vector<1x128xf32>
    %broadcast_in_dim3A_620 = vector.broadcast %broadcast_in_dim3A_619 : vector<1x128xf32> to vector<1024x128xf32>
    %select_n3A_621 = arith.select %lt3A_617, %broadcast_in_dim3A_620, %select_n3A_606 : vector<1024x128xi1>, vector<1024x128xf32>
    %slice3A_622 = vector.extract_strided_slice %dot_general3A_9 {offsets = [0, 5248], sizes = [1024, 128], strides = [1, 1]} : vector<1024x8192xf32> to vector<1024x128xf32>
    %add3A_623 = vector.broadcast %broadcast_in_dim3A : vector<1024x1xf32> to vector<1024x128xf32>
    %add3A_624 = arith.addf %add3A_623, %slice3A_622 : vector<1024x128xf32>
    %slice3A_625 = vector.extract_strided_slice %get3A_13 {offsets = [5248], sizes = [128], strides = [1]} : vector<8192xf32> to vector<128xf32>
    %broadcast_in_dim3A_626 = vector.shape_cast %slice3A_625 : vector<128xf32> to vector<1x128xf32>
    %add3A_627 = vector.broadcast %broadcast_in_dim3A_626 : vector<1x128xf32> to vector<1024x128xf32>
    %add3A_628 = arith.addf %add3A_624, %add3A_627 : vector<1024x128xf32>
    %add3A_629 = arith.constant 5.248000e+03 : f32
    %add3A_630 = vector.broadcast %add3A_629 : f32 to vector<1x128xf32>
    %add3A_631 = arith.addf %convert_element_type3A_5, %add3A_630 : vector<1x128xf32>
    %lt3A_632 = arith.cmpf olt, %add3A_628, %select_n3A_618 : vector<1024x128xf32>
    %select_n3A_633 = arith.select %lt3A_632, %add3A_628, %select_n3A_618 : vector<1024x128xi1>, vector<1024x128xf32>
    %broadcast_in_dim3A_634 = vector.shape_cast %add3A_631 : vector<1x128xf32> to vector<1x128xf32>
    %broadcast_in_dim3A_635 = vector.broadcast %broadcast_in_dim3A_634 : vector<1x128xf32> to vector<1024x128xf32>
    %select_n3A_636 = arith.select %lt3A_632, %broadcast_in_dim3A_635, %select_n3A_621 : vector<1024x128xi1>, vector<1024x128xf32>
    %slice3A_637 = vector.extract_strided_slice %dot_general3A_9 {offsets = [0, 5376], sizes = [1024, 128], strides = [1, 1]} : vector<1024x8192xf32> to vector<1024x128xf32>
    %add3A_638 = vector.broadcast %broadcast_in_dim3A : vector<1024x1xf32> to vector<1024x128xf32>
    %add3A_639 = arith.addf %add3A_638, %slice3A_637 : vector<1024x128xf32>
    %slice3A_640 = vector.extract_strided_slice %get3A_13 {offsets = [5376], sizes = [128], strides = [1]} : vector<8192xf32> to vector<128xf32>
    %broadcast_in_dim3A_641 = vector.shape_cast %slice3A_640 : vector<128xf32> to vector<1x128xf32>
    %add3A_642 = vector.broadcast %broadcast_in_dim3A_641 : vector<1x128xf32> to vector<1024x128xf32>
    %add3A_643 = arith.addf %add3A_639, %add3A_642 : vector<1024x128xf32>
    %add3A_644 = arith.constant 5.376000e+03 : f32
    %add3A_645 = vector.broadcast %add3A_644 : f32 to vector<1x128xf32>
    %add3A_646 = arith.addf %convert_element_type3A_5, %add3A_645 : vector<1x128xf32>
    %lt3A_647 = arith.cmpf olt, %add3A_643, %select_n3A_633 : vector<1024x128xf32>
    %select_n3A_648 = arith.select %lt3A_647, %add3A_643, %select_n3A_633 : vector<1024x128xi1>, vector<1024x128xf32>
    %broadcast_in_dim3A_649 = vector.shape_cast %add3A_646 : vector<1x128xf32> to vector<1x128xf32>
    %broadcast_in_dim3A_650 = vector.broadcast %broadcast_in_dim3A_649 : vector<1x128xf32> to vector<1024x128xf32>
    %select_n3A_651 = arith.select %lt3A_647, %broadcast_in_dim3A_650, %select_n3A_636 : vector<1024x128xi1>, vector<1024x128xf32>
    %slice3A_652 = vector.extract_strided_slice %dot_general3A_9 {offsets = [0, 5504], sizes = [1024, 128], strides = [1, 1]} : vector<1024x8192xf32> to vector<1024x128xf32>
    %add3A_653 = vector.broadcast %broadcast_in_dim3A : vector<1024x1xf32> to vector<1024x128xf32>
    %add3A_654 = arith.addf %add3A_653, %slice3A_652 : vector<1024x128xf32>
    %slice3A_655 = vector.extract_strided_slice %get3A_13 {offsets = [5504], sizes = [128], strides = [1]} : vector<8192xf32> to vector<128xf32>
    %broadcast_in_dim3A_656 = vector.shape_cast %slice3A_655 : vector<128xf32> to vector<1x128xf32>
    %add3A_657 = vector.broadcast %broadcast_in_dim3A_656 : vector<1x128xf32> to vector<1024x128xf32>
    %add3A_658 = arith.addf %add3A_654, %add3A_657 : vector<1024x128xf32>
    %add3A_659 = arith.constant 5.504000e+03 : f32
    %add3A_660 = vector.broadcast %add3A_659 : f32 to vector<1x128xf32>
    %add3A_661 = arith.addf %convert_element_type3A_5, %add3A_660 : vector<1x128xf32>
    %lt3A_662 = arith.cmpf olt, %add3A_658, %select_n3A_648 : vector<1024x128xf32>
    %select_n3A_663 = arith.select %lt3A_662, %add3A_658, %select_n3A_648 : vector<1024x128xi1>, vector<1024x128xf32>
    %broadcast_in_dim3A_664 = vector.shape_cast %add3A_661 : vector<1x128xf32> to vector<1x128xf32>
    %broadcast_in_dim3A_665 = vector.broadcast %broadcast_in_dim3A_664 : vector<1x128xf32> to vector<1024x128xf32>
    %select_n3A_666 = arith.select %lt3A_662, %broadcast_in_dim3A_665, %select_n3A_651 : vector<1024x128xi1>, vector<1024x128xf32>
    %slice3A_667 = vector.extract_strided_slice %dot_general3A_9 {offsets = [0, 5632], sizes = [1024, 128], strides = [1, 1]} : vector<1024x8192xf32> to vector<1024x128xf32>
    %add3A_668 = vector.broadcast %broadcast_in_dim3A : vector<1024x1xf32> to vector<1024x128xf32>
    %add3A_669 = arith.addf %add3A_668, %slice3A_667 : vector<1024x128xf32>
    %slice3A_670 = vector.extract_strided_slice %get3A_13 {offsets = [5632], sizes = [128], strides = [1]} : vector<8192xf32> to vector<128xf32>
    %broadcast_in_dim3A_671 = vector.shape_cast %slice3A_670 : vector<128xf32> to vector<1x128xf32>
    %add3A_672 = vector.broadcast %broadcast_in_dim3A_671 : vector<1x128xf32> to vector<1024x128xf32>
    %add3A_673 = arith.addf %add3A_669, %add3A_672 : vector<1024x128xf32>
    %add3A_674 = arith.constant 5.632000e+03 : f32
    %add3A_675 = vector.broadcast %add3A_674 : f32 to vector<1x128xf32>
    %add3A_676 = arith.addf %convert_element_type3A_5, %add3A_675 : vector<1x128xf32>
    %lt3A_677 = arith.cmpf olt, %add3A_673, %select_n3A_663 : vector<1024x128xf32>
    %select_n3A_678 = arith.select %lt3A_677, %add3A_673, %select_n3A_663 : vector<1024x128xi1>, vector<1024x128xf32>
    %broadcast_in_dim3A_679 = vector.shape_cast %add3A_676 : vector<1x128xf32> to vector<1x128xf32>
    %broadcast_in_dim3A_680 = vector.broadcast %broadcast_in_dim3A_679 : vector<1x128xf32> to vector<1024x128xf32>
    %select_n3A_681 = arith.select %lt3A_677, %broadcast_in_dim3A_680, %select_n3A_666 : vector<1024x128xi1>, vector<1024x128xf32>
    %slice3A_682 = vector.extract_strided_slice %dot_general3A_9 {offsets = [0, 5760], sizes = [1024, 128], strides = [1, 1]} : vector<1024x8192xf32> to vector<1024x128xf32>
    %add3A_683 = vector.broadcast %broadcast_in_dim3A : vector<1024x1xf32> to vector<1024x128xf32>
    %add3A_684 = arith.addf %add3A_683, %slice3A_682 : vector<1024x128xf32>
    %slice3A_685 = vector.extract_strided_slice %get3A_13 {offsets = [5760], sizes = [128], strides = [1]} : vector<8192xf32> to vector<128xf32>
    %broadcast_in_dim3A_686 = vector.shape_cast %slice3A_685 : vector<128xf32> to vector<1x128xf32>
    %add3A_687 = vector.broadcast %broadcast_in_dim3A_686 : vector<1x128xf32> to vector<1024x128xf32>
    %add3A_688 = arith.addf %add3A_684, %add3A_687 : vector<1024x128xf32>
    %add3A_689 = arith.constant 5.760000e+03 : f32
    %add3A_690 = vector.broadcast %add3A_689 : f32 to vector<1x128xf32>
    %add3A_691 = arith.addf %convert_element_type3A_5, %add3A_690 : vector<1x128xf32>
    %lt3A_692 = arith.cmpf olt, %add3A_688, %select_n3A_678 : vector<1024x128xf32>
    %select_n3A_693 = arith.select %lt3A_692, %add3A_688, %select_n3A_678 : vector<1024x128xi1>, vector<1024x128xf32>
    %broadcast_in_dim3A_694 = vector.shape_cast %add3A_691 : vector<1x128xf32> to vector<1x128xf32>
    %broadcast_in_dim3A_695 = vector.broadcast %broadcast_in_dim3A_694 : vector<1x128xf32> to vector<1024x128xf32>
    %select_n3A_696 = arith.select %lt3A_692, %broadcast_in_dim3A_695, %select_n3A_681 : vector<1024x128xi1>, vector<1024x128xf32>
    %slice3A_697 = vector.extract_strided_slice %dot_general3A_9 {offsets = [0, 5888], sizes = [1024, 128], strides = [1, 1]} : vector<1024x8192xf32> to vector<1024x128xf32>
    %add3A_698 = vector.broadcast %broadcast_in_dim3A : vector<1024x1xf32> to vector<1024x128xf32>
    %add3A_699 = arith.addf %add3A_698, %slice3A_697 : vector<1024x128xf32>
    %slice3A_700 = vector.extract_strided_slice %get3A_13 {offsets = [5888], sizes = [128], strides = [1]} : vector<8192xf32> to vector<128xf32>
    %broadcast_in_dim3A_701 = vector.shape_cast %slice3A_700 : vector<128xf32> to vector<1x128xf32>
    %add3A_702 = vector.broadcast %broadcast_in_dim3A_701 : vector<1x128xf32> to vector<1024x128xf32>
    %add3A_703 = arith.addf %add3A_699, %add3A_702 : vector<1024x128xf32>
    %add3A_704 = arith.constant 5.888000e+03 : f32
    %add3A_705 = vector.broadcast %add3A_704 : f32 to vector<1x128xf32>
    %add3A_706 = arith.addf %convert_element_type3A_5, %add3A_705 : vector<1x128xf32>
    %lt3A_707 = arith.cmpf olt, %add3A_703, %select_n3A_693 : vector<1024x128xf32>
    %select_n3A_708 = arith.select %lt3A_707, %add3A_703, %select_n3A_693 : vector<1024x128xi1>, vector<1024x128xf32>
    %broadcast_in_dim3A_709 = vector.shape_cast %add3A_706 : vector<1x128xf32> to vector<1x128xf32>
    %broadcast_in_dim3A_710 = vector.broadcast %broadcast_in_dim3A_709 : vector<1x128xf32> to vector<1024x128xf32>
    %select_n3A_711 = arith.select %lt3A_707, %broadcast_in_dim3A_710, %select_n3A_696 : vector<1024x128xi1>, vector<1024x128xf32>
    %slice3A_712 = vector.extract_strided_slice %dot_general3A_9 {offsets = [0, 6016], sizes = [1024, 128], strides = [1, 1]} : vector<1024x8192xf32> to vector<1024x128xf32>
    %add3A_713 = vector.broadcast %broadcast_in_dim3A : vector<1024x1xf32> to vector<1024x128xf32>
    %add3A_714 = arith.addf %add3A_713, %slice3A_712 : vector<1024x128xf32>
    %slice3A_715 = vector.extract_strided_slice %get3A_13 {offsets = [6016], sizes = [128], strides = [1]} : vector<8192xf32> to vector<128xf32>
    %broadcast_in_dim3A_716 = vector.shape_cast %slice3A_715 : vector<128xf32> to vector<1x128xf32>
    %add3A_717 = vector.broadcast %broadcast_in_dim3A_716 : vector<1x128xf32> to vector<1024x128xf32>
    %add3A_718 = arith.addf %add3A_714, %add3A_717 : vector<1024x128xf32>
    %add3A_719 = arith.constant 6.016000e+03 : f32
    %add3A_720 = vector.broadcast %add3A_719 : f32 to vector<1x128xf32>
    %add3A_721 = arith.addf %convert_element_type3A_5, %add3A_720 : vector<1x128xf32>
    %lt3A_722 = arith.cmpf olt, %add3A_718, %select_n3A_708 : vector<1024x128xf32>
    %select_n3A_723 = arith.select %lt3A_722, %add3A_718, %select_n3A_708 : vector<1024x128xi1>, vector<1024x128xf32>
    %broadcast_in_dim3A_724 = vector.shape_cast %add3A_721 : vector<1x128xf32> to vector<1x128xf32>
    %broadcast_in_dim3A_725 = vector.broadcast %broadcast_in_dim3A_724 : vector<1x128xf32> to vector<1024x128xf32>
    %select_n3A_726 = arith.select %lt3A_722, %broadcast_in_dim3A_725, %select_n3A_711 : vector<1024x128xi1>, vector<1024x128xf32>
    %slice3A_727 = vector.extract_strided_slice %dot_general3A_9 {offsets = [0, 6144], sizes = [1024, 128], strides = [1, 1]} : vector<1024x8192xf32> to vector<1024x128xf32>
    %add3A_728 = vector.broadcast %broadcast_in_dim3A : vector<1024x1xf32> to vector<1024x128xf32>
    %add3A_729 = arith.addf %add3A_728, %slice3A_727 : vector<1024x128xf32>
    %slice3A_730 = vector.extract_strided_slice %get3A_13 {offsets = [6144], sizes = [128], strides = [1]} : vector<8192xf32> to vector<128xf32>
    %broadcast_in_dim3A_731 = vector.shape_cast %slice3A_730 : vector<128xf32> to vector<1x128xf32>
    %add3A_732 = vector.broadcast %broadcast_in_dim3A_731 : vector<1x128xf32> to vector<1024x128xf32>
    %add3A_733 = arith.addf %add3A_729, %add3A_732 : vector<1024x128xf32>
    %add3A_734 = arith.constant 6.144000e+03 : f32
    %add3A_735 = vector.broadcast %add3A_734 : f32 to vector<1x128xf32>
    %add3A_736 = arith.addf %convert_element_type3A_5, %add3A_735 : vector<1x128xf32>
    %lt3A_737 = arith.cmpf olt, %add3A_733, %select_n3A_723 : vector<1024x128xf32>
    %select_n3A_738 = arith.select %lt3A_737, %add3A_733, %select_n3A_723 : vector<1024x128xi1>, vector<1024x128xf32>
    %broadcast_in_dim3A_739 = vector.shape_cast %add3A_736 : vector<1x128xf32> to vector<1x128xf32>
    %broadcast_in_dim3A_740 = vector.broadcast %broadcast_in_dim3A_739 : vector<1x128xf32> to vector<1024x128xf32>
    %select_n3A_741 = arith.select %lt3A_737, %broadcast_in_dim3A_740, %select_n3A_726 : vector<1024x128xi1>, vector<1024x128xf32>
    %slice3A_742 = vector.extract_strided_slice %dot_general3A_9 {offsets = [0, 6272], sizes = [1024, 128], strides = [1, 1]} : vector<1024x8192xf32> to vector<1024x128xf32>
    %add3A_743 = vector.broadcast %broadcast_in_dim3A : vector<1024x1xf32> to vector<1024x128xf32>
    %add3A_744 = arith.addf %add3A_743, %slice3A_742 : vector<1024x128xf32>
    %slice3A_745 = vector.extract_strided_slice %get3A_13 {offsets = [6272], sizes = [128], strides = [1]} : vector<8192xf32> to vector<128xf32>
    %broadcast_in_dim3A_746 = vector.shape_cast %slice3A_745 : vector<128xf32> to vector<1x128xf32>
    %add3A_747 = vector.broadcast %broadcast_in_dim3A_746 : vector<1x128xf32> to vector<1024x128xf32>
    %add3A_748 = arith.addf %add3A_744, %add3A_747 : vector<1024x128xf32>
    %add3A_749 = arith.constant 6.272000e+03 : f32
    %add3A_750 = vector.broadcast %add3A_749 : f32 to vector<1x128xf32>
    %add3A_751 = arith.addf %convert_element_type3A_5, %add3A_750 : vector<1x128xf32>
    %lt3A_752 = arith.cmpf olt, %add3A_748, %select_n3A_738 : vector<1024x128xf32>
    %select_n3A_753 = arith.select %lt3A_752, %add3A_748, %select_n3A_738 : vector<1024x128xi1>, vector<1024x128xf32>
    %broadcast_in_dim3A_754 = vector.shape_cast %add3A_751 : vector<1x128xf32> to vector<1x128xf32>
    %broadcast_in_dim3A_755 = vector.broadcast %broadcast_in_dim3A_754 : vector<1x128xf32> to vector<1024x128xf32>
    %select_n3A_756 = arith.select %lt3A_752, %broadcast_in_dim3A_755, %select_n3A_741 : vector<1024x128xi1>, vector<1024x128xf32>
    %slice3A_757 = vector.extract_strided_slice %dot_general3A_9 {offsets = [0, 6400], sizes = [1024, 128], strides = [1, 1]} : vector<1024x8192xf32> to vector<1024x128xf32>
    %add3A_758 = vector.broadcast %broadcast_in_dim3A : vector<1024x1xf32> to vector<1024x128xf32>
    %add3A_759 = arith.addf %add3A_758, %slice3A_757 : vector<1024x128xf32>
    %slice3A_760 = vector.extract_strided_slice %get3A_13 {offsets = [6400], sizes = [128], strides = [1]} : vector<8192xf32> to vector<128xf32>
    %broadcast_in_dim3A_761 = vector.shape_cast %slice3A_760 : vector<128xf32> to vector<1x128xf32>
    %add3A_762 = vector.broadcast %broadcast_in_dim3A_761 : vector<1x128xf32> to vector<1024x128xf32>
    %add3A_763 = arith.addf %add3A_759, %add3A_762 : vector<1024x128xf32>
    %add3A_764 = arith.constant 6.400000e+03 : f32
    %add3A_765 = vector.broadcast %add3A_764 : f32 to vector<1x128xf32>
    %add3A_766 = arith.addf %convert_element_type3A_5, %add3A_765 : vector<1x128xf32>
    %lt3A_767 = arith.cmpf olt, %add3A_763, %select_n3A_753 : vector<1024x128xf32>
    %select_n3A_768 = arith.select %lt3A_767, %add3A_763, %select_n3A_753 : vector<1024x128xi1>, vector<1024x128xf32>
    %broadcast_in_dim3A_769 = vector.shape_cast %add3A_766 : vector<1x128xf32> to vector<1x128xf32>
    %broadcast_in_dim3A_770 = vector.broadcast %broadcast_in_dim3A_769 : vector<1x128xf32> to vector<1024x128xf32>
    %select_n3A_771 = arith.select %lt3A_767, %broadcast_in_dim3A_770, %select_n3A_756 : vector<1024x128xi1>, vector<1024x128xf32>
    %slice3A_772 = vector.extract_strided_slice %dot_general3A_9 {offsets = [0, 6528], sizes = [1024, 128], strides = [1, 1]} : vector<1024x8192xf32> to vector<1024x128xf32>
    %add3A_773 = vector.broadcast %broadcast_in_dim3A : vector<1024x1xf32> to vector<1024x128xf32>
    %add3A_774 = arith.addf %add3A_773, %slice3A_772 : vector<1024x128xf32>
    %slice3A_775 = vector.extract_strided_slice %get3A_13 {offsets = [6528], sizes = [128], strides = [1]} : vector<8192xf32> to vector<128xf32>
    %broadcast_in_dim3A_776 = vector.shape_cast %slice3A_775 : vector<128xf32> to vector<1x128xf32>
    %add3A_777 = vector.broadcast %broadcast_in_dim3A_776 : vector<1x128xf32> to vector<1024x128xf32>
    %add3A_778 = arith.addf %add3A_774, %add3A_777 : vector<1024x128xf32>
    %add3A_779 = arith.constant 6.528000e+03 : f32
    %add3A_780 = vector.broadcast %add3A_779 : f32 to vector<1x128xf32>
    %add3A_781 = arith.addf %convert_element_type3A_5, %add3A_780 : vector<1x128xf32>
    %lt3A_782 = arith.cmpf olt, %add3A_778, %select_n3A_768 : vector<1024x128xf32>
    %select_n3A_783 = arith.select %lt3A_782, %add3A_778, %select_n3A_768 : vector<1024x128xi1>, vector<1024x128xf32>
    %broadcast_in_dim3A_784 = vector.shape_cast %add3A_781 : vector<1x128xf32> to vector<1x128xf32>
    %broadcast_in_dim3A_785 = vector.broadcast %broadcast_in_dim3A_784 : vector<1x128xf32> to vector<1024x128xf32>
    %select_n3A_786 = arith.select %lt3A_782, %broadcast_in_dim3A_785, %select_n3A_771 : vector<1024x128xi1>, vector<1024x128xf32>
    %slice3A_787 = vector.extract_strided_slice %dot_general3A_9 {offsets = [0, 6656], sizes = [1024, 128], strides = [1, 1]} : vector<1024x8192xf32> to vector<1024x128xf32>
    %add3A_788 = vector.broadcast %broadcast_in_dim3A : vector<1024x1xf32> to vector<1024x128xf32>
    %add3A_789 = arith.addf %add3A_788, %slice3A_787 : vector<1024x128xf32>
    %slice3A_790 = vector.extract_strided_slice %get3A_13 {offsets = [6656], sizes = [128], strides = [1]} : vector<8192xf32> to vector<128xf32>
    %broadcast_in_dim3A_791 = vector.shape_cast %slice3A_790 : vector<128xf32> to vector<1x128xf32>
    %add3A_792 = vector.broadcast %broadcast_in_dim3A_791 : vector<1x128xf32> to vector<1024x128xf32>
    %add3A_793 = arith.addf %add3A_789, %add3A_792 : vector<1024x128xf32>
    %add3A_794 = arith.constant 6.656000e+03 : f32
    %add3A_795 = vector.broadcast %add3A_794 : f32 to vector<1x128xf32>
    %add3A_796 = arith.addf %convert_element_type3A_5, %add3A_795 : vector<1x128xf32>
    %lt3A_797 = arith.cmpf olt, %add3A_793, %select_n3A_783 : vector<1024x128xf32>
    %select_n3A_798 = arith.select %lt3A_797, %add3A_793, %select_n3A_783 : vector<1024x128xi1>, vector<1024x128xf32>
    %broadcast_in_dim3A_799 = vector.shape_cast %add3A_796 : vector<1x128xf32> to vector<1x128xf32>
    %broadcast_in_dim3A_800 = vector.broadcast %broadcast_in_dim3A_799 : vector<1x128xf32> to vector<1024x128xf32>
    %select_n3A_801 = arith.select %lt3A_797, %broadcast_in_dim3A_800, %select_n3A_786 : vector<1024x128xi1>, vector<1024x128xf32>
    %slice3A_802 = vector.extract_strided_slice %dot_general3A_9 {offsets = [0, 6784], sizes = [1024, 128], strides = [1, 1]} : vector<1024x8192xf32> to vector<1024x128xf32>
    %add3A_803 = vector.broadcast %broadcast_in_dim3A : vector<1024x1xf32> to vector<1024x128xf32>
    %add3A_804 = arith.addf %add3A_803, %slice3A_802 : vector<1024x128xf32>
    %slice3A_805 = vector.extract_strided_slice %get3A_13 {offsets = [6784], sizes = [128], strides = [1]} : vector<8192xf32> to vector<128xf32>
    %broadcast_in_dim3A_806 = vector.shape_cast %slice3A_805 : vector<128xf32> to vector<1x128xf32>
    %add3A_807 = vector.broadcast %broadcast_in_dim3A_806 : vector<1x128xf32> to vector<1024x128xf32>
    %add3A_808 = arith.addf %add3A_804, %add3A_807 : vector<1024x128xf32>
    %add3A_809 = arith.constant 6.784000e+03 : f32
    %add3A_810 = vector.broadcast %add3A_809 : f32 to vector<1x128xf32>
    %add3A_811 = arith.addf %convert_element_type3A_5, %add3A_810 : vector<1x128xf32>
    %lt3A_812 = arith.cmpf olt, %add3A_808, %select_n3A_798 : vector<1024x128xf32>
    %select_n3A_813 = arith.select %lt3A_812, %add3A_808, %select_n3A_798 : vector<1024x128xi1>, vector<1024x128xf32>
    %broadcast_in_dim3A_814 = vector.shape_cast %add3A_811 : vector<1x128xf32> to vector<1x128xf32>
    %broadcast_in_dim3A_815 = vector.broadcast %broadcast_in_dim3A_814 : vector<1x128xf32> to vector<1024x128xf32>
    %select_n3A_816 = arith.select %lt3A_812, %broadcast_in_dim3A_815, %select_n3A_801 : vector<1024x128xi1>, vector<1024x128xf32>
    %slice3A_817 = vector.extract_strided_slice %dot_general3A_9 {offsets = [0, 6912], sizes = [1024, 128], strides = [1, 1]} : vector<1024x8192xf32> to vector<1024x128xf32>
    %add3A_818 = vector.broadcast %broadcast_in_dim3A : vector<1024x1xf32> to vector<1024x128xf32>
    %add3A_819 = arith.addf %add3A_818, %slice3A_817 : vector<1024x128xf32>
    %slice3A_820 = vector.extract_strided_slice %get3A_13 {offsets = [6912], sizes = [128], strides = [1]} : vector<8192xf32> to vector<128xf32>
    %broadcast_in_dim3A_821 = vector.shape_cast %slice3A_820 : vector<128xf32> to vector<1x128xf32>
    %add3A_822 = vector.broadcast %broadcast_in_dim3A_821 : vector<1x128xf32> to vector<1024x128xf32>
    %add3A_823 = arith.addf %add3A_819, %add3A_822 : vector<1024x128xf32>
    %add3A_824 = arith.constant 6.912000e+03 : f32
    %add3A_825 = vector.broadcast %add3A_824 : f32 to vector<1x128xf32>
    %add3A_826 = arith.addf %convert_element_type3A_5, %add3A_825 : vector<1x128xf32>
    %lt3A_827 = arith.cmpf olt, %add3A_823, %select_n3A_813 : vector<1024x128xf32>
    %select_n3A_828 = arith.select %lt3A_827, %add3A_823, %select_n3A_813 : vector<1024x128xi1>, vector<1024x128xf32>
    %broadcast_in_dim3A_829 = vector.shape_cast %add3A_826 : vector<1x128xf32> to vector<1x128xf32>
    %broadcast_in_dim3A_830 = vector.broadcast %broadcast_in_dim3A_829 : vector<1x128xf32> to vector<1024x128xf32>
    %select_n3A_831 = arith.select %lt3A_827, %broadcast_in_dim3A_830, %select_n3A_816 : vector<1024x128xi1>, vector<1024x128xf32>
    %slice3A_832 = vector.extract_strided_slice %dot_general3A_9 {offsets = [0, 7040], sizes = [1024, 128], strides = [1, 1]} : vector<1024x8192xf32> to vector<1024x128xf32>
    %add3A_833 = vector.broadcast %broadcast_in_dim3A : vector<1024x1xf32> to vector<1024x128xf32>
    %add3A_834 = arith.addf %add3A_833, %slice3A_832 : vector<1024x128xf32>
    %slice3A_835 = vector.extract_strided_slice %get3A_13 {offsets = [7040], sizes = [128], strides = [1]} : vector<8192xf32> to vector<128xf32>
    %broadcast_in_dim3A_836 = vector.shape_cast %slice3A_835 : vector<128xf32> to vector<1x128xf32>
    %add3A_837 = vector.broadcast %broadcast_in_dim3A_836 : vector<1x128xf32> to vector<1024x128xf32>
    %add3A_838 = arith.addf %add3A_834, %add3A_837 : vector<1024x128xf32>
    %add3A_839 = arith.constant 7.040000e+03 : f32
    %add3A_840 = vector.broadcast %add3A_839 : f32 to vector<1x128xf32>
    %add3A_841 = arith.addf %convert_element_type3A_5, %add3A_840 : vector<1x128xf32>
    %lt3A_842 = arith.cmpf olt, %add3A_838, %select_n3A_828 : vector<1024x128xf32>
    %select_n3A_843 = arith.select %lt3A_842, %add3A_838, %select_n3A_828 : vector<1024x128xi1>, vector<1024x128xf32>
    %broadcast_in_dim3A_844 = vector.shape_cast %add3A_841 : vector<1x128xf32> to vector<1x128xf32>
    %broadcast_in_dim3A_845 = vector.broadcast %broadcast_in_dim3A_844 : vector<1x128xf32> to vector<1024x128xf32>
    %select_n3A_846 = arith.select %lt3A_842, %broadcast_in_dim3A_845, %select_n3A_831 : vector<1024x128xi1>, vector<1024x128xf32>
    %slice3A_847 = vector.extract_strided_slice %dot_general3A_9 {offsets = [0, 7168], sizes = [1024, 128], strides = [1, 1]} : vector<1024x8192xf32> to vector<1024x128xf32>
    %add3A_848 = vector.broadcast %broadcast_in_dim3A : vector<1024x1xf32> to vector<1024x128xf32>
    %add3A_849 = arith.addf %add3A_848, %slice3A_847 : vector<1024x128xf32>
    %slice3A_850 = vector.extract_strided_slice %get3A_13 {offsets = [7168], sizes = [128], strides = [1]} : vector<8192xf32> to vector<128xf32>
    %broadcast_in_dim3A_851 = vector.shape_cast %slice3A_850 : vector<128xf32> to vector<1x128xf32>
    %add3A_852 = vector.broadcast %broadcast_in_dim3A_851 : vector<1x128xf32> to vector<1024x128xf32>
    %add3A_853 = arith.addf %add3A_849, %add3A_852 : vector<1024x128xf32>
    %add3A_854 = arith.constant 7.168000e+03 : f32
    %add3A_855 = vector.broadcast %add3A_854 : f32 to vector<1x128xf32>
    %add3A_856 = arith.addf %convert_element_type3A_5, %add3A_855 : vector<1x128xf32>
    %lt3A_857 = arith.cmpf olt, %add3A_853, %select_n3A_843 : vector<1024x128xf32>
    %select_n3A_858 = arith.select %lt3A_857, %add3A_853, %select_n3A_843 : vector<1024x128xi1>, vector<1024x128xf32>
    %broadcast_in_dim3A_859 = vector.shape_cast %add3A_856 : vector<1x128xf32> to vector<1x128xf32>
    %broadcast_in_dim3A_860 = vector.broadcast %broadcast_in_dim3A_859 : vector<1x128xf32> to vector<1024x128xf32>
    %select_n3A_861 = arith.select %lt3A_857, %broadcast_in_dim3A_860, %select_n3A_846 : vector<1024x128xi1>, vector<1024x128xf32>
    %slice3A_862 = vector.extract_strided_slice %dot_general3A_9 {offsets = [0, 7296], sizes = [1024, 128], strides = [1, 1]} : vector<1024x8192xf32> to vector<1024x128xf32>
    %add3A_863 = vector.broadcast %broadcast_in_dim3A : vector<1024x1xf32> to vector<1024x128xf32>
    %add3A_864 = arith.addf %add3A_863, %slice3A_862 : vector<1024x128xf32>
    %slice3A_865 = vector.extract_strided_slice %get3A_13 {offsets = [7296], sizes = [128], strides = [1]} : vector<8192xf32> to vector<128xf32>
    %broadcast_in_dim3A_866 = vector.shape_cast %slice3A_865 : vector<128xf32> to vector<1x128xf32>
    %add3A_867 = vector.broadcast %broadcast_in_dim3A_866 : vector<1x128xf32> to vector<1024x128xf32>
    %add3A_868 = arith.addf %add3A_864, %add3A_867 : vector<1024x128xf32>
    %add3A_869 = arith.constant 7.296000e+03 : f32
    %add3A_870 = vector.broadcast %add3A_869 : f32 to vector<1x128xf32>
    %add3A_871 = arith.addf %convert_element_type3A_5, %add3A_870 : vector<1x128xf32>
    %lt3A_872 = arith.cmpf olt, %add3A_868, %select_n3A_858 : vector<1024x128xf32>
    %select_n3A_873 = arith.select %lt3A_872, %add3A_868, %select_n3A_858 : vector<1024x128xi1>, vector<1024x128xf32>
    %broadcast_in_dim3A_874 = vector.shape_cast %add3A_871 : vector<1x128xf32> to vector<1x128xf32>
    %broadcast_in_dim3A_875 = vector.broadcast %broadcast_in_dim3A_874 : vector<1x128xf32> to vector<1024x128xf32>
    %select_n3A_876 = arith.select %lt3A_872, %broadcast_in_dim3A_875, %select_n3A_861 : vector<1024x128xi1>, vector<1024x128xf32>
    %slice3A_877 = vector.extract_strided_slice %dot_general3A_9 {offsets = [0, 7424], sizes = [1024, 128], strides = [1, 1]} : vector<1024x8192xf32> to vector<1024x128xf32>
    %add3A_878 = vector.broadcast %broadcast_in_dim3A : vector<1024x1xf32> to vector<1024x128xf32>
    %add3A_879 = arith.addf %add3A_878, %slice3A_877 : vector<1024x128xf32>
    %slice3A_880 = vector.extract_strided_slice %get3A_13 {offsets = [7424], sizes = [128], strides = [1]} : vector<8192xf32> to vector<128xf32>
    %broadcast_in_dim3A_881 = vector.shape_cast %slice3A_880 : vector<128xf32> to vector<1x128xf32>
    %add3A_882 = vector.broadcast %broadcast_in_dim3A_881 : vector<1x128xf32> to vector<1024x128xf32>
    %add3A_883 = arith.addf %add3A_879, %add3A_882 : vector<1024x128xf32>
    %add3A_884 = arith.constant 7.424000e+03 : f32
    %add3A_885 = vector.broadcast %add3A_884 : f32 to vector<1x128xf32>
    %add3A_886 = arith.addf %convert_element_type3A_5, %add3A_885 : vector<1x128xf32>
    %lt3A_887 = arith.cmpf olt, %add3A_883, %select_n3A_873 : vector<1024x128xf32>
    %select_n3A_888 = arith.select %lt3A_887, %add3A_883, %select_n3A_873 : vector<1024x128xi1>, vector<1024x128xf32>
    %broadcast_in_dim3A_889 = vector.shape_cast %add3A_886 : vector<1x128xf32> to vector<1x128xf32>
    %broadcast_in_dim3A_890 = vector.broadcast %broadcast_in_dim3A_889 : vector<1x128xf32> to vector<1024x128xf32>
    %select_n3A_891 = arith.select %lt3A_887, %broadcast_in_dim3A_890, %select_n3A_876 : vector<1024x128xi1>, vector<1024x128xf32>
    %slice3A_892 = vector.extract_strided_slice %dot_general3A_9 {offsets = [0, 7552], sizes = [1024, 128], strides = [1, 1]} : vector<1024x8192xf32> to vector<1024x128xf32>
    %add3A_893 = vector.broadcast %broadcast_in_dim3A : vector<1024x1xf32> to vector<1024x128xf32>
    %add3A_894 = arith.addf %add3A_893, %slice3A_892 : vector<1024x128xf32>
    %slice3A_895 = vector.extract_strided_slice %get3A_13 {offsets = [7552], sizes = [128], strides = [1]} : vector<8192xf32> to vector<128xf32>
    %broadcast_in_dim3A_896 = vector.shape_cast %slice3A_895 : vector<128xf32> to vector<1x128xf32>
    %add3A_897 = vector.broadcast %broadcast_in_dim3A_896 : vector<1x128xf32> to vector<1024x128xf32>
    %add3A_898 = arith.addf %add3A_894, %add3A_897 : vector<1024x128xf32>
    %add3A_899 = arith.constant 7.552000e+03 : f32
    %add3A_900 = vector.broadcast %add3A_899 : f32 to vector<1x128xf32>
    %add3A_901 = arith.addf %convert_element_type3A_5, %add3A_900 : vector<1x128xf32>
    %lt3A_902 = arith.cmpf olt, %add3A_898, %select_n3A_888 : vector<1024x128xf32>
    %select_n3A_903 = arith.select %lt3A_902, %add3A_898, %select_n3A_888 : vector<1024x128xi1>, vector<1024x128xf32>
    %broadcast_in_dim3A_904 = vector.shape_cast %add3A_901 : vector<1x128xf32> to vector<1x128xf32>
    %broadcast_in_dim3A_905 = vector.broadcast %broadcast_in_dim3A_904 : vector<1x128xf32> to vector<1024x128xf32>
    %select_n3A_906 = arith.select %lt3A_902, %broadcast_in_dim3A_905, %select_n3A_891 : vector<1024x128xi1>, vector<1024x128xf32>
    %slice3A_907 = vector.extract_strided_slice %dot_general3A_9 {offsets = [0, 7680], sizes = [1024, 128], strides = [1, 1]} : vector<1024x8192xf32> to vector<1024x128xf32>
    %add3A_908 = vector.broadcast %broadcast_in_dim3A : vector<1024x1xf32> to vector<1024x128xf32>
    %add3A_909 = arith.addf %add3A_908, %slice3A_907 : vector<1024x128xf32>
    %slice3A_910 = vector.extract_strided_slice %get3A_13 {offsets = [7680], sizes = [128], strides = [1]} : vector<8192xf32> to vector<128xf32>
    %broadcast_in_dim3A_911 = vector.shape_cast %slice3A_910 : vector<128xf32> to vector<1x128xf32>
    %add3A_912 = vector.broadcast %broadcast_in_dim3A_911 : vector<1x128xf32> to vector<1024x128xf32>
    %add3A_913 = arith.addf %add3A_909, %add3A_912 : vector<1024x128xf32>
    %add3A_914 = arith.constant 7.680000e+03 : f32
    %add3A_915 = vector.broadcast %add3A_914 : f32 to vector<1x128xf32>
    %add3A_916 = arith.addf %convert_element_type3A_5, %add3A_915 : vector<1x128xf32>
    %lt3A_917 = arith.cmpf olt, %add3A_913, %select_n3A_903 : vector<1024x128xf32>
    %select_n3A_918 = arith.select %lt3A_917, %add3A_913, %select_n3A_903 : vector<1024x128xi1>, vector<1024x128xf32>
    %broadcast_in_dim3A_919 = vector.shape_cast %add3A_916 : vector<1x128xf32> to vector<1x128xf32>
    %broadcast_in_dim3A_920 = vector.broadcast %broadcast_in_dim3A_919 : vector<1x128xf32> to vector<1024x128xf32>
    %select_n3A_921 = arith.select %lt3A_917, %broadcast_in_dim3A_920, %select_n3A_906 : vector<1024x128xi1>, vector<1024x128xf32>
    %slice3A_922 = vector.extract_strided_slice %dot_general3A_9 {offsets = [0, 7808], sizes = [1024, 128], strides = [1, 1]} : vector<1024x8192xf32> to vector<1024x128xf32>
    %add3A_923 = vector.broadcast %broadcast_in_dim3A : vector<1024x1xf32> to vector<1024x128xf32>
    %add3A_924 = arith.addf %add3A_923, %slice3A_922 : vector<1024x128xf32>
    %slice3A_925 = vector.extract_strided_slice %get3A_13 {offsets = [7808], sizes = [128], strides = [1]} : vector<8192xf32> to vector<128xf32>
    %broadcast_in_dim3A_926 = vector.shape_cast %slice3A_925 : vector<128xf32> to vector<1x128xf32>
    %add3A_927 = vector.broadcast %broadcast_in_dim3A_926 : vector<1x128xf32> to vector<1024x128xf32>
    %add3A_928 = arith.addf %add3A_924, %add3A_927 : vector<1024x128xf32>
    %add3A_929 = arith.constant 7.808000e+03 : f32
    %add3A_930 = vector.broadcast %add3A_929 : f32 to vector<1x128xf32>
    %add3A_931 = arith.addf %convert_element_type3A_5, %add3A_930 : vector<1x128xf32>
    %lt3A_932 = arith.cmpf olt, %add3A_928, %select_n3A_918 : vector<1024x128xf32>
    %select_n3A_933 = arith.select %lt3A_932, %add3A_928, %select_n3A_918 : vector<1024x128xi1>, vector<1024x128xf32>
    %broadcast_in_dim3A_934 = vector.shape_cast %add3A_931 : vector<1x128xf32> to vector<1x128xf32>
    %broadcast_in_dim3A_935 = vector.broadcast %broadcast_in_dim3A_934 : vector<1x128xf32> to vector<1024x128xf32>
    %select_n3A_936 = arith.select %lt3A_932, %broadcast_in_dim3A_935, %select_n3A_921 : vector<1024x128xi1>, vector<1024x128xf32>
    %slice3A_937 = vector.extract_strided_slice %dot_general3A_9 {offsets = [0, 7936], sizes = [1024, 128], strides = [1, 1]} : vector<1024x8192xf32> to vector<1024x128xf32>
    %add3A_938 = vector.broadcast %broadcast_in_dim3A : vector<1024x1xf32> to vector<1024x128xf32>
    %add3A_939 = arith.addf %add3A_938, %slice3A_937 : vector<1024x128xf32>
    %slice3A_940 = vector.extract_strided_slice %get3A_13 {offsets = [7936], sizes = [128], strides = [1]} : vector<8192xf32> to vector<128xf32>
    %broadcast_in_dim3A_941 = vector.shape_cast %slice3A_940 : vector<128xf32> to vector<1x128xf32>
    %add3A_942 = vector.broadcast %broadcast_in_dim3A_941 : vector<1x128xf32> to vector<1024x128xf32>
    %add3A_943 = arith.addf %add3A_939, %add3A_942 : vector<1024x128xf32>
    %add3A_944 = arith.constant 7.936000e+03 : f32
    %add3A_945 = vector.broadcast %add3A_944 : f32 to vector<1x128xf32>
    %add3A_946 = arith.addf %convert_element_type3A_5, %add3A_945 : vector<1x128xf32>
    %lt3A_947 = arith.cmpf olt, %add3A_943, %select_n3A_933 : vector<1024x128xf32>
    %select_n3A_948 = arith.select %lt3A_947, %add3A_943, %select_n3A_933 : vector<1024x128xi1>, vector<1024x128xf32>
    %broadcast_in_dim3A_949 = vector.shape_cast %add3A_946 : vector<1x128xf32> to vector<1x128xf32>
    %broadcast_in_dim3A_950 = vector.broadcast %broadcast_in_dim3A_949 : vector<1x128xf32> to vector<1024x128xf32>
    %select_n3A_951 = arith.select %lt3A_947, %broadcast_in_dim3A_950, %select_n3A_936 : vector<1024x128xi1>, vector<1024x128xf32>
    %slice3A_952 = vector.extract_strided_slice %dot_general3A_9 {offsets = [0, 8064], sizes = [1024, 128], strides = [1, 1]} : vector<1024x8192xf32> to vector<1024x128xf32>
    %add3A_953 = vector.broadcast %broadcast_in_dim3A : vector<1024x1xf32> to vector<1024x128xf32>
    %add3A_954 = arith.addf %add3A_953, %slice3A_952 : vector<1024x128xf32>
    %slice3A_955 = vector.extract_strided_slice %get3A_13 {offsets = [8064], sizes = [128], strides = [1]} : vector<8192xf32> to vector<128xf32>
    %broadcast_in_dim3A_956 = vector.shape_cast %slice3A_955 : vector<128xf32> to vector<1x128xf32>
    %add3A_957 = vector.broadcast %broadcast_in_dim3A_956 : vector<1x128xf32> to vector<1024x128xf32>
    %add3A_958 = arith.addf %add3A_954, %add3A_957 : vector<1024x128xf32>
    %add3A_959 = arith.constant 8.064000e+03 : f32
    %add3A_960 = vector.broadcast %add3A_959 : f32 to vector<1x128xf32>
    %add3A_961 = arith.addf %convert_element_type3A_5, %add3A_960 : vector<1x128xf32>
    %lt3A_962 = arith.cmpf olt, %add3A_958, %select_n3A_948 : vector<1024x128xf32>
    %select_n3A_963 = arith.select %lt3A_962, %add3A_958, %select_n3A_948 : vector<1024x128xi1>, vector<1024x128xf32>
    %broadcast_in_dim3A_964 = vector.shape_cast %add3A_961 : vector<1x128xf32> to vector<1x128xf32>
    %broadcast_in_dim3A_965 = vector.broadcast %broadcast_in_dim3A_964 : vector<1x128xf32> to vector<1024x128xf32>
    %select_n3A_966 = arith.select %lt3A_962, %broadcast_in_dim3A_965, %select_n3A_951 : vector<1024x128xi1>, vector<1024x128xf32>
    %reduce_min3A = arith.constant dense<0x7F800000> : vector<1024xf32>
    %reduce_min3A_967 = vector.multi_reduction <minimumf>, %select_n3A_963, %reduce_min3A [1] : vector<1024x128xf32> to vector<1024xf32>
    %broadcast_in_dim3A_968 = vector.shape_cast %reduce_min3A_967 : vector<1024xf32> to vector<1024x1xf32>
    %eq3A_969 = vector.broadcast %broadcast_in_dim3A_968 : vector<1024x1xf32> to vector<1024x128xf32>
    %eq3A_970 = arith.cmpf oeq, %select_n3A_963, %eq3A_969 : vector<1024x128xf32>
    %jit3A = arith.constant 8.192000e+03 : f32
    %broadcast_in_dim3A_971 = vector.broadcast %jit3A : f32 to vector<1024x128xf32>
    %select_n3A_972 = arith.select %eq3A_970, %select_n3A_966, %broadcast_in_dim3A_971 : vector<1024x128xi1>, vector<1024x128xf32>
    %reduce_min3A_973 = arith.constant dense<0x7F800000> : vector<1024xf32>
    %reduce_min3A_974 = vector.multi_reduction <minimumf>, %select_n3A_972, %reduce_min3A_973 [1] : vector<1024x128xf32> to vector<1024xf32>
    %convert_element_type3A_975 = arith.fptosi %reduce_min3A_974 : vector<1024xf32> to vector<1024xi32>
    %swap3A = arith.constant 0 : index
    %swap3A_976 = arith.constant 0 : index
    %swap3A_977 = arith.constant 0 : index
    %swap3A_978 = vector.load %arg3[%swap3A, %swap3A_976, %swap3A_977] : memref<1x1x1024xi32, #tpu.memory_space<vmem>>, vector<1x1x1024xi32>
    %swap3A_979 = vector.shape_cast %swap3A_978 : vector<1x1x1024xi32> to vector<1024xi32>
    %swap3A_980 = vector.shape_cast %convert_element_type3A_975 : vector<1024xi32> to vector<1x1x1024xi32>
    tpu.vector_store %arg3[%swap3A, %swap3A_976, %swap3A_977], %swap3A_980 {strides = array<i32>} : memref<1x1x1024xi32, #tpu.memory_space<vmem>>, vector<1x1x1024xi32>,
    return
  }
  func.func @transform_0(%arg0: i32) -> (i32, i32) {
    %c0_i32 = arith.constant 0 : i32
    %c0_i32_0 = arith.constant 0 : i32
    return %arg0, %c0_i32 : i32, i32
  }
  func.func @transform_1(%arg0: i32) -> (i32, i32) {
    %c0_i32 = arith.constant 0 : i32
    %c0_i32_0 = arith.constant 0 : i32
    %c0_i32_1 = arith.constant 0 : i32
    return %c0_i32, %c0_i32_0 : i32, i32
  }
  func.func @transform_2(%arg0: i32) -> (i32, i32, i32) {
    %c0_i32 = arith.constant 0 : i32
    %c0_i32_0 = arith.constant 0 : i32
    %c0_i32_1 = arith.constant 0 : i32
    return %arg0, %c0_i32, %c0_i32_0 : i32, i32, i32
  }
  func.func @transform_3(%arg0: i32) -> (i32, i32) {
    %c0_i32 = arith.constant 0 : i32
    %c0_i32_0 = arith.constant 0 : i32
    %c0_i32_1 = arith.constant 0 : i32
    return %c0_i32, %c0_i32_0 : i32, i32
  }
}

</mosaic_0001>

<sc_bundles>
// kernel: kernel.4.cloned.1.call-start
scs
__scs_entry_jumppad:
0x0: {  	(pc) =	sbr.rel $0x88, $3  }
0x1: {  	(tag) =	ssettag $0x0;
	lr =	simm.s32 $0x1  }
0x2: {  	[smem:$0x3F9F] =	sst lr;
	_ =	strace $0xD0000000  }
0x3: {  	_ = 	snop  }
0x4: {  	_ = 	snop  }
0x5: {  	_ = 	snop  }
0x6: {  	_ = 	snop  }
0x7: {  	_ = 	snop  }
__scs_overlays_trampoline_lowered:
0x8: {  	[smem:$0x3FAE] =	sst s0  }
0x9: {  	[smem:$0x3FAF] =	sst s1  }
0xa: {  	[smem:$0x3FB0] =	sst s2  }
0xb: {  	[smem:$0x3FB1] =	sst s3  }
0xc: {  	[smem:$0x3FB2] =	sst s4  }
0xd: {  	[smem:$0x3FB3] =	sst s5  }
0xe: {  	[smem:$0x3FB4] =	sst s6  }
0xf: {  	[smem:$0x3FB5] =	sst s7  }
0x10: {  	[smem:$0x3FB6] =	sst s8  }
0x11: {  	[smem:$0x3FB7] =	sst s9;
	s0 =	simm.s32 @!p0 $0x0  }
0x12: {  	s1 =	sld [smem:$0x3F9D];
	s0 =	simm.s32 @p0 $0x1  }
0x13: {  	[smem:$0x3FB8] =	sst s0;
	s0 =	simm.s32 @!p1 $0x0  }
0x14: {  	s2 =	sld [smem:$0x3F9C];
	s0 =	simm.s32 @p1 $0x1  }
0x15: {  	[smem:$0x3FB9] =	sst s0;
	s0 =	simm.s32 @!p2 $0x0  }
0x16: {  	s3 =	sld [smem:$0x3FDB];
	s0 =	simm.s32 @p2 $0x1  }
0x17: {  	s4 =	simm.s32 $0x1BF5;
	[smem:$0x3FBB] =	sst s0  }
0x18: {  	s0 =	sld [smem:$0x3F9E];
	_ =	swait.ge [sflag:s4], $0x0  }
0x19: {  	s7 =	sld [smem:$0x3F9F]  }
0x1a: {  	s8 =	sadd.s32 $0xFFFFE003, lr  }
0x1b: {  	s9 =	sadd.s32 $0xFFFFFEF7, lr;
	s5 =	simm.s32 $0xFFFFFFFF;
	p2 =	slt.u32 s8, $0xFFFFF086  }
0x1c: {  	p1 =	slt.u32 s9, $0xF7A;
	s5 =	simm.s32 @!p2 $0x0  }
0x1d: {  	s5 =	simm.s32 @p1 $0x1;
	p0 =	seq.s32 s7, s2  }
0x1e: {  	s7 =	smul.u32 @!p0 $0xF7A, s2;
	p2 =	seq.s32 @!p0 s5, $0x0  }
0x1f: {  	s9 =	smul.u32 $0xF7A, s1;
	s8 =	simm.s32 @!p0 $0x1BF5;
	p2 =	por !p2, p0  }
0x20: {  	[sflag:s8] =	ssyncset.s32 @!p0 $0xFFFFF086;
	s6 =	sadd.s32 @!p0 s3, s7;
	s7 =	simm.s32 @!p0 $0x108  }
0x21: {  	s3 =	sadd.s32 s3, s9;
	s6 =	sadd.s32 @!p0 $0x88, s6;
	s7 =	simm.s32 @p2 $0x1082  }
0x22: {  	[simem:s7], [sflag:s8] =	dma.local @!p0 [hbm:s6], $0xF7A  }
0x23: {  	s9 =	sor.u32 $0xD0000000, s2;
	s6 =	simm.s32 $0x108;
	_ =	swait.ge @!p0 [sflag:s8], $0x0  }
0x24: {  	s3 =	sadd.s32 $0x88, s3;
	s6 =	simm.s32 @!p1 $0x1082;
	[sflag:s4] =	ssyncset.s32 $0xFFFFF086  }
0x25: {  	[simem:s6], [sflag:s4] =	dma.local [hbm:s3], $0xF7A  }
0x26: {  	[smem:$0x3F9F] =	sst s1;
	(tag) =	ssettag s2;
	_ =	strace s9  }
0x27: {  	s1 =	sld [smem:$0x3FAF]  }
0x28: {  	s2 =	sld [smem:$0x3FB0]  }
0x29: {  	s4 =	sld [smem:$0x3FB2]  }
0x2a: {  	p0 =	seq.s32 s5, $0x0;
	s5 =	sld [smem:$0x3FB3]  }
0x2b: {  	s6 =	sld [smem:$0x3FB4]  }
0x2c: {  	s7 =	sld [smem:$0x3FB5]  }
0x2d: {  	s3 =	simm.s32 $0x108;
	s8 =	sld [smem:$0x3FB6]  }
0x2e: {  	s3 =	simm.s32 @!p0 $0x1082;
	s9 =	sld [smem:$0x3FB7]  }
0x2f: {  	lr =	sadd.s32 s0, s3;
	s0 =	sld [smem:$0x3FAE]  }
0x30: {  	s3 =	sld [smem:$0x3FB1]  }
0x31: {  	[smem:$0x3FBA] =	sst s10  }
0x32: {  	s10 =	sld [smem:$0x3FB8];
	_ =	sdelay $0x3  }
0x33: {  	p0 =	seq.s32 s10, $0x1;
	s10 =	sld [smem:$0x3FBA];
	_ =	sdelay $0x3  }
0x34: {  	[smem:$0x3FBA] =	sst s10  }
0x35: {  	s10 =	sld [smem:$0x3FB9];
	_ =	sdelay $0x3  }
0x36: {  	p1 =	seq.s32 s10, $0x1;
	s10 =	sld [smem:$0x3FBA];
	_ =	sdelay $0x3  }
0x37: {  	[smem:$0x3FBA] =	sst s10  }
0x38: {  	s10 =	sld [smem:$0x3FBB]  }
0x39: {  	_ = 	snop;
	(pc) =	sbr.ind lr, $3  }
0x3a: {  	_ = 	snop  }
0x3b: {  	_ = 	snop  }
0x3c: {  	p2 =	seq.s32 s10, $0x1;
	s10 =	sld [smem:$0x3FBA]  }
0x3d: {  	_ =	shalt  }
0x3e: {  	_ =	shalt  }
0x3f: {  	_ =	shalt  }
0x40: {  	_ =	shalt  }
0x41: {  	_ =	shalt  }
0x42: {  	_ =	shalt  }
0x43: {  	_ =	shalt  }
0x44: {  	_ =	shalt  }
0x45: {  	_ =	shalt  }
0x46: {  	_ =	shalt  }
0x47: {  	_ =	shalt  }
0x48: {  	_ =	shalt  }
0x49: {  	_ =	shalt  }
0x4a: {  	_ =	shalt  }
0x4b: {  	_ =	shalt  }
0x4c: {  	_ =	shalt  }
0x4d: {  	_ =	shalt  }
0x4e: {  	_ =	shalt  }
0x4f: {  	_ =	shalt  }
0x50: {  	_ =	shalt  }
0x51: {  	_ =	shalt  }
0x52: {  	_ =	shalt  }
0x53: {  	_ =	shalt  }
0x54: {  	_ =	shalt  }
0x55: {  	_ =	shalt  }
0x56: {  	_ =	shalt  }
0x57: {  	_ =	shalt  }
0x58: {  	_ =	shalt  }
0x59: {  	_ =	shalt  }
0x5a: {  	_ =	shalt  }
0x5b: {  	_ =	shalt  }
0x5c: {  	_ =	shalt  }
0x5d: {  	_ =	shalt  }
0x5e: {  	_ =	shalt  }
0x5f: {  	_ =	shalt  }
0x60: {  	_ =	shalt  }
0x61: {  	_ =	shalt  }
0x62: {  	_ =	shalt  }
0x63: {  	_ =	shalt  }
0x64: {  	_ =	shalt  }
0x65: {  	_ =	shalt  }
0x66: {  	_ =	shalt  }
0x67: {  	_ =	shalt  }
0x68: {  	_ =	shalt  }
0x69: {  	_ =	shalt  }
0x6a: {  	_ =	shalt  }
0x6b: {  	_ =	shalt  }
0x6c: {  	_ =	shalt  }
0x6d: {  	_ =	shalt  }
0x6e: {  	_ =	shalt  }
0x6f: {  	_ =	shalt  }
0x70: {  	_ =	shalt  }
0x71: {  	_ =	shalt  }
0x72: {  	_ =	shalt  }
0x73: {  	_ =	shalt  }
0x74: {  	_ =	shalt  }
0x75: {  	_ =	shalt  }
0x76: {  	_ =	shalt  }
0x77: {  	_ =	shalt  }
0x78: {  	_ =	shalt  }
0x79: {  	_ =	shalt  }
0x7a: {  	_ =	shalt  }
0x7b: {  	_ =	shalt  }
0x7c: {  	_ =	shalt  }
0x7d: {  	_ =	shalt  }
0x7e: {  	_ =	shalt  }
0x7f: {  	_ =	shalt  }
0x80: {  	_ =	shalt  }
0x81: {  	_ =	shalt  }
0x82: {  	_ =	shalt  }
0x83: {  	_ =	shalt  }
0x84: {  	_ =	shalt  }
0x85: {  	_ =	shalt  }
0x86: {  	_ =	shalt  }
0x87: {  	_ =	shalt  }
.Lfunc_end0:
.L_simem_size_0:
called_computation_lowered:
.L_overlay_start_0:
0x88: {  	s2 =	sld [smem:$0x3FD9]  }
0x89: {  	s3 =	sld [smem:$0x3FFE];
	_ =	sdelay $0x1  }
0x8a: {  	s1 =	srdreg.scid  }
0x8b: {  	s0 =	sand.u32 $0x1, s1  }
0x8c: {  	s14 =	sshll.u32 s0, $0xA;
	s2 =	sadd.s32 s3, s2  }
0x8d: {  	s2 =	sadd.s32 s2, s14  }
0x8e: {  	[smem:$0x3FC6] =	sst s2  }
0x8f: {  	_ = 	snop  }
0x90: {  	s2 =	sld [smem:$0x3FD0];
	_ =	sdelay $0x2  }
0x91: {  	s4 =	simm.s32 $0xA;
	s5 =	simm.s32 $0x10;
	s15 =	sld [smem:$0x3FC9]  }
0x92: {  	[smem:s5], [sflag:s4] =	dma.local [hbm:s2], $0x1  }
0x93: {  	_ =	swait.eq [sflag:s4], $0x1  }
0x94: {  	[sflag:s4] =	ssyncset.done $0x0  }
0x95: {  	[sflag:s4] =	ssyncadd.s32 $0xFFFFFFFF  }
0x96: {  	s16 =	sld [smem:$0x10];
	(tm) =	ssettm $0x1  }
0x97: {  	s17 =	sld [smem:$0x3FFB];
	_ =	sdelay $0x3  }
0x98: {  	_ =	strace s17  }
0x99: {  	s4 =	sld [smem:$0x3FFC];
	_ =	sdelay $0x3  }
0x9a: {  	_ =	strace s4  }
0x9b: {  	s4 =	sld [smem:$0x3FFD];
	_ =	sdelay $0x3  }
0x9c: {  	_ =	strace s4  }
0x9d: {  	_ =	strace $0x8FFFFFFF  }
0x9e: {  	s18 =	sld [smem:$0x3FDB];
	_ =	sdelay $0x1  }
0x9f: {  	s19 =	simm.s32 $_scs_section_size  }
0xa0: {  	s6 =	simm.s32 $_size__tile_overlayer_lowered;
	s7 =	simm.s32 $_tile_overlayer_lowered  }
0xa1: {  	s22 =	simm.s32 $0x1BFF;
	s21 =	sshll.u32 s7, $0x1;
	s4 =	sadd.s32 s19, s18  }
0xa2: {  	s8 =	simm.s32 $0x0;
	s20 =	sshll.u32 s6, $0x1;
	s6 =	sadd.s32 s21, s4  }
0xa3: {  	[timem:s8], [sflag:s22] =	dma.local [hbm:s6], s20  }
0xa4: {  	_ =	swait.ge [sflag:s22], s20  }
0xa5: {  	s5 =	ssub.s32 $0x0, s20;
	[sflag:s22] =	ssyncset.done $0x0  }
0xa6: {  	[sflag:s22] =	ssyncadd.s32 s5;
	_ =	sdelay $0x1  }
0xa7: {  	s23 =	simm.s32 $0x1B8B  }
0xa8: {  	_ =	swait.ge [sflag:s23], $0x1  }
0xa9: {  	[sflag:s23] =	ssyncset.done $0x0  }
0xaa: {  	s25 =	simm.s32 $0x1B8E;
	s24 =	sld [smem:$0x3FFE];
	[sflag:s23] =	ssyncadd.s32 $0xFFFFFFFF  }
0xab: {  	s26 =	simm.s32 $execute0_lowered;
	[smem:$0x3FD2] =	sst s25  }
0xac: {  	s6 =	sshll.u32 s26, $0x1;
	_ =	strace $0x80000046;
	[dreg:$0x1] =	wrdreg $0xFFFFFFFF  }
0xad: {  	s28 =	simm.s32 $_size_execute0_lowered;
	s4 =	sadd.s32 s4, s6;
	[dreg:$0x0] =	wrdreg $0x0  }
0xae: {  	s6 =	sshll.u32 s28, $0x1;
	[dreg:$0x2] =	wrdreg s4  }
0xaf: {  	[dreg:$0x3] =	wrdreg s6  }
0xb0: {  	[dreg:$0x4] =	wrdreg $0xC0  }
0xb1: {  	_ =	task [dreg:s8], $0x5FFFF  }
0xb2: {  	[dreg:$0x1] =	wrdreg $0xFFFFFFFF  }
0xb3: {  	[dreg:$0x0] =	wrdreg $0x60  }
0xb4: {  	[dreg:$0x2] =	wrdreg s24  }
0xb5: {  	[dreg:$0x3] =	wrdreg s15  }
0xb6: {  	[dreg:$0x4] =	wrdreg s16  }
0xb7: {  	[dreg:$0x5] =	wrdreg $0x9  }
0xb8: {  	_ =	task.clear_ibuf [dreg:s8], $0x6FFFF;
	_ =	strace $0x90000046  }
0xb9: {  	s29 =	simm.s32 $0x9;
	_ =	strace $0x80000048  }
0xba: {  	_ =	swait.ge [sflag:s29], $0x1  }
0xbb: {  	[sflag:s29] =	ssyncadd.s32 $0xFFFFFFFF  }
0xbc: {  	_ =	strace $0x90000048  }
0xbd: {  	_ =	sfence  }
0xbe: {  	s30 =	sld [smem:$0x0];
	_ =	sdelay $0x2  }
0xbf: {  	s31 =	sshll.u32 s1, $0xD;
	s1 =	sshrl.u32 s1, $0x2  }
0xc0: {  	s3 =	sand.u32 $0x4000, s31;
	s1 =	sadd.s32 s1, s30  }
0xc1: {  	s0 =	sor.u32 s3, s0;
	s1 =	sshll.u32 s1, $0x11  }
0xc2: {  	s0 =	sor.u32 s1, s0  }
0xc3: {  	s0 =	sadd.s32 $0x8F2B, s0  }
0xc4: {  	[sflag:s0] =	ssyncadd.remote.s32 $0x1  }
0xc5: {  	_ =	sfence.sel $0xFFFF  }
0xc6: {  	[dreg:$0x0] =	wrdreg $0xFFFFFFFF;
	(pc) =	sbr.abs _section_cstart, $3  }
0xc7: {  	[dreg:$0x1] =	wrdreg $0xFFFFFFFF  }
0xc8: {  	_ =	task.clear_ibuf [dreg:s8], $0x2FFFF;
	_ =	strace $0x9FFFFFFF  }
0xc9: {  	(tm) =	ssettm $0x7FFFFFFF  }
tec
execute0_lowered:
.L_overlay_start_1:
0x0: {  	(tag) =	ssettag $0x1  }
0x1: {  	s4 =	rddreg [dreg:$0x0]  }
0x2: {  	s5 =	rddreg [dreg:$0x1]  }
0x3: {  	s6 =	rddreg [dreg:$0x2]  }
0x4: {  	s0 =	rddreg [dreg:$0x3];
	s2 =	simm.s32 $0x0;
	s3 =	srdreg.scid  }
0x5: {  	s1 =	stileid.u32;
	s12 =	simm.s32 $0x1;
	s13 =	simm.s32 $0x10100  }
0x6: {  	s14 =	simm.s32 $0x18100;
	s15 =	simm.s32 $0x0;
	[smem:$0x7FF] =	sst s2  }
0x7: {  	s7 =	sand.u32 $0x1, s3;
	s30 =	sshll.u32 s1, $0x1;
	s3 =	sadd.s32 $0x800, s4  }
0x8: {  	_ =	strace $0x80000047;
	s8 =	sor.u32 s7, s30;
	s7 =	ssub.s32 $0x2, s7  }
0x9: {  	s9 =	sshll.u32 s8, $0x5;
	s10 =	sshll.u32 s8, $0x1;
	s11 =	sshrl.u32 s7, $0x1  }
0xa: {  	s31 =	sshll.u32 s8, $0xC;
	s9 =	sadd.s32 s9, s4;
	s10 =	sadd.s32 s10, s4  }
0xb: {  	s11 =	ssub.s32 s7, s11;
	s5 =	sadd.s32 s5, s31;
	s6 =	sadd.s32 s6, s31  }
0xc: {  	s4 =	sadd.s32 $0x20800, s9;
	s7 =	sadd.s32 $0x20C00, s10;
	s8 =	smax.u32 s11, $0x1  }
0xd: {  	s9 =	simm.s32 $0x2;
	s10 =	simm.s32 $0x100;
	s11 =	simm.s32 $0x8100  }
.LBB2_1:
0xe: {  	[tilespmem:s2], [sflag:$0x2] =	stream.linear.gather [hbm4b:s4+s2], $0x100, $0x38;
	[tilespmem:$0x18180] =	vst v63  }
0xf: {  	_ =	swait.ge [sflag:s9], $0x100  }
0x10: {  	[sflag:s9] =	ssyncset.done $0x0  }
0x11: {  	[sflag:s9] =	ssyncadd.s32 $0xFFFFFF00  }
0x12: {  	[tilespmem:s10], [sflag:$0x1] =	stream.indirect.gather [hbm4b:s3+s10], $0x80, s2, s10, $0xb8;
	[tilespmem:$0x18180] =	vst v63  }
0x13: {  	_ = 	snop  }
0x14: {  	[tilespmem:s11], [sflag:$0x2] =	stream.linear.gather [hbm4b:s5+s2], $0x8000, $0x38;
	[tilespmem:$0x18180] =	vst v63  }
0x15: {  	_ =	swait.ge [sflag:s9], $0x8000  }
0x16: {  	[sflag:s9] =	ssyncset.done $0x0  }
0x17: {  	[sflag:s9] =	ssyncadd.s32 $0xFFFF8000  }
0x18: {  	_ =	swait.ge [sflag:s12], $0x8000  }
0x19: {  	[sflag:s12] =	ssyncset.done $0x0  }
0x1a: {  	s17 =	simm.s32 $0x0;
	[sflag:s12] =	ssyncadd.s32 $0xFFFF8000  }
0x1b: {  	v0 =	vld [tilespmem:s17+$0x100]  }
0x1c: {  	v1 =	vld [tilespmem:s17+$0x8100]  }
0x1d: {  	v2 =	vld [tilespmem:s17+$0x110]  }
0x1e: {  	v4 =	vld [tilespmem:s17+$0x8110]  }
0x1f: {  	v5 =	vld [tilespmem:s17+$0x120]  }
0x20: {  	v6 =	vld [tilespmem:s17+$0x8120]  }
0x21: {  	v7 =	vld [tilespmem:s17+$0x130];
	v0 =	vsub.f32 v0, v1  }
0x22: {  	s16 =	simm.s32 $0x80;
	v8 =	vld [tilespmem:s17+$0x8130]  }
0x23: {  	v9 =	vld [tilespmem:s16+$0x100];
	v12 =	vsub.f32 v2, v4;
	v10 =	vmul.f32 v0, v0  }
0x24: {  	v3 =	vld [tilespmem:s16+$0x8100];
	v0 =	vadd.f32 v0, v1;
	v1 =	vimm.f32 $0.0e+00  }
0x25: {  	v11 =	vld [tilespmem:s16+$0x110];
	v5 =	vsub.f32 v5, v6;
	v1 =	vadd.f32 v10, v1;
	v10 =	vmul.f32 v12, v12  }
0x26: {  	v2 =	vld [tilespmem:s16+$0x8110];
	[tilespmem:s17+$0x10100] =	vst v0;
	v12 =	vadd.f32 v12, v4  }
0x27: {  	v13 =	vsub.f32 v7, v8;
	v4 =	vld [tilespmem:s16+$0x120];
	v1 =	vadd.f32 v10, v1;
	v10 =	vmul.f32 v5, v5  }
0x28: {  	v6 =	vadd.f32 v5, v6;
	v0 =	vld [tilespmem:s16+$0x8120];
	[tilespmem:s17+$0x10110] =	vst v12  }
0x29: {  	v7 =	vsub.f32 v9, v3;
	v14 =	vmul.f32 v13, v13;
	v5 =	vld [tilespmem:s16+$0x130];
	v63 =	vadd.f32 v10, v1  }
0x2a: {  	s18 =	simm.s32 $0x100;
	v1 =	vld [tilespmem:s16+$0x8130];
	[tilespmem:s17+$0x10120] =	vst v6;
	v10 =	vadd.f32 v13, v8  }
0x2b: {  	s19 =	simm.s32 $0x600;
	v9 =	vmul.f32 v7, v7;
	v8 =	vsub.f32 v11, v2;
	v6 =	vld [tilespmem:s18+$0x100];
	v11 =	vadd.f32 v14, v63  }
.LBB2_2:
0x2c: {  	p0 =	sne.s32 s19, $0x1FE00;
	v7 =	vadd.f32 v7, v3;
	v3 =	vld [tilespmem:s18+$0x8100];
	[tilespmem:s17+$0x10130] =	vst v10;
	s17 =	smov.u32 s16;
	s16 =	smov.u32 s18  }
0x2d: {  	v12 =	vld [tilespmem:s16+$0x110];
	v9 =	vadd.f32 v9, v11;
	v10 =	vmul.f32 v8, v8;
	v11 =	vsub.f32 v4, v0  }
0x2e: {  	[tilespmem:s17+$0x10100] =	vst v7;
	v7 =	vadd.f32 v8, v2;
	v2 =	vld [tilespmem:s16+$0x8110]  }
.Ltmp0:
0x2f: {  	v4 =	vld [tilespmem:s16+$0x120];
	v8 =	vadd.f32 v10, v9;
	v9 =	vmul.f32 v11, v11;
	v10 =	vsub.f32 v5, v1;
	(pc) =	sbr.rel @p0 .LBB2_2-.Ltmp0, $4  }
0x30: {  	v11 =	vadd.f32 v11, v0;
	[tilespmem:s17+$0x10110] =	vst v7;
	v0 =	vld [tilespmem:s16+$0x8120]  }
0x31: {  	v7 =	vsub.f32 v6, v3;
	v5 =	vld [tilespmem:s16+$0x130];
	v13 =	vadd.f32 v9, v8;
	v14 =	vmul.f32 v10, v10  }
0x32: {  	s18 =	sshra.s32 s19, $0x2;
	v10 =	vadd.f32 v10, v1;
	[tilespmem:s17+$0x10120] =	vst v11;
	v1 =	vld [tilespmem:s16+$0x8130]  }
0x33: {  	s19 =	sadd.s32 $0x200, s19;
	v6 =	vld [tilespmem:s18+$0x100];
	v9 =	vmul.f32 v7, v7;
	v8 =	vsub.f32 v12, v2;
	v11 =	vadd.f32 v14, v13  }
0x34: {  	v12 =	vld [tilespmem:s18+$0x8100];
	[tilespmem:s17+$0x10130] =	vst v10;
	v3 =	vadd.f32 v7, v3  }
0x35: {  	v46 =	vld [tilespmem:s18+$0x110];
	v9 =	vadd.f32 v9, v11;
	v47 =	vmul.f32 v8, v8;
	v4 =	vsub.f32 v4, v0  }
0x36: {  	v10 =	vld [tilespmem:s18+$0x8110];
	v2 =	vadd.f32 v8, v2;
	[tilespmem:s16+$0x10100] =	vst v3  }
0x37: {  	v3 =	vld [tilespmem:s18+$0x120];
	v48 =	vadd.f32 v47, v9;
	v49 =	vmul.f32 v4, v4;
	v5 =	vsub.f32 v5, v1  }
0x38: {  	v50 =	vld [tilespmem:s18+$0x8120];
	[tilespmem:s16+$0x10110] =	vst v2  }
0x39: {  	v52 =	vld [tilespmem:s18+$0x130];
	v51 =	vsub.f32 v6, v12;
	v8 =	vadd.f32 v49, v48;
	v53 =	vmul.f32 v5, v5  }
0x3a: {  	v13 =	vld [tilespmem:s18+$0x8130]  }
0x3b: {  	v7 =	vsub.f32 v46, v10;
	v8 =	vadd.f32 v53, v8;
	v54 =	vmul.f32 v51, v51  }
0x3c: {  	v0 =	vadd.f32 v4, v0  }
0x3d: {  	v56 =	vmul.f32 v7, v7;
	v3 =	vsub.f32 v3, v50;
	v55 =	vadd.f32 v54, v8  }
0x3e: {  	v1 =	vadd.f32 v5, v1;
	v2 =	vadd.f32 v51, v12  }
0x3f: {  	[tilespmem:s16+$0x10120] =	vst v0;
	v59 =	vsub.f32 v52, v13;
	v58 =	vmul.f32 v3, v3;
	v57 =	vadd.f32 v56, v55  }
0x40: {  	[tilespmem:s16+$0x10130] =	vst v1;
	v60 =	vadd.f32 v7, v10  }
0x41: {  	[tilespmem:s18+$0x10100] =	vst v2;
	v61 =	vadd.f32 v3, v50;
	v62 =	vmul.f32 v59, v59;
	v0 =	vadd.f32 v58, v57  }
0x42: {  	[tilespmem:s18+$0x10110] =	vst v60;
	v63 =	vadd.f32 v59, v13  }
0x43: {  	[tilespmem:s18+$0x10120] =	vst v61;
	v0 =	vadd.f32 v62, v0  }
0x44: {  	[tilespmem:s18+$0x10130] =	vst v63  }
0x45: {  	[tilespmem:$0x18100] =	vst v0  }
0x46: {  	[hbm4b:s6+s2] =	stream.linear.scatter [tilespmem:s13], [sflag:$0x2], $0x8000, $0x38;
	[tilespmem:$0x18180] =	vst v63  }
0x47: {  	s15 =	sadd.s32 $0x1, s15;
	_ =	swait.ge [sflag:s9], $0x8000  }
0x48: {  	p0 =	sne.s32 s15, s8;
	[sflag:s9] =	ssyncset.done $0x0  }
.Ltmp1:
0x49: {  	[sflag:s9] =	ssyncadd.s32 $0xFFFF8000;
	(pc) =	sbr.rel @p0 .LBB2_1-.Ltmp1, $4  }
0x4a: {  	[hbm4b:s7+s2] =	stream.linear.scatter [tilespmem:s14], [sflag:$0x2], $0x10, $0x38;
	[tilespmem:$0x18180] =	vst v63  }
0x4b: {  	_ =	swait.ge [sflag:s9], $0x10  }
0x4c: {  	[sflag:s9] =	ssyncset.done $0x0  }
0x4d: {  	[sflag:s9] =	ssyncadd.s32 $0xFFFFFFF0  }
0x4e: {  	_ =	sfence.sel $0x180000  }
0x4f: {  	[bflag:$0x0] =	sbarrier.arrive $0xFFFF  }
0x50: {  	p0 =	sne.s32 s1, $0x0;
	_ =	strace $0x90000047  }
0x51: {  	s0 =	sadd.s32 @!p0 $0x100000, s0;
	[bflag:$0x2] =	sbarrier.arrive $0xFFFF  }
0x52: {  	[sflag:s0] =	ssyncadd.tile.s32 @!p0 $0x1;
	_ =	shalt  }
.Lfunc_end2:
_tile_overlayer_lowered:
.L_overlay_start_2:
0x53: {  	(tag) =	ssettag $0x2  }
0x54: {  	s0 =	rddreg [dreg:$0x0];
	s2 =	stileid.u32  }
0x55: {  	s1 =	rddreg [dreg:$0x1];
	p0 =	sne.s32 s2, $0x0  }
0x56: {  	s3 =	rddreg [dreg:$0x2];
	[bflag:$0x3] =	sbarrier.arrive $0xFFFF;
	s2 =	simm.s32 @!p0 $0x1C02  }
0x57: {  	[timem:s3], [sflag:s2] =	dma.local @!p0 [hbm:s0], s1  }
0x58: {  	s0 =	simm.s32 @!p0 $0x2  }
0x59: {  	_ =	swait.ge @!p0 [sflag:s0], s1  }
0x5a: {  	s1 =	ssub.s32 @!p0 $0x0, s1;
	[sflag:s0] =	ssyncset.done @!p0 $0x0  }
0x5b: {  	[sflag:s0] =	ssyncadd.s32 @!p0 s1  }
0x5c: {  	[bflag:$0x3] =	sbarrier.arrive $0xFFFF  }
0x5d: {  	_ =	shalt  }

</sc_bundles>
